<compile_context>
chip_gen: v7x
topology: tpu7x:2x2x1
jax: 0.10.2.dev20260603
libtpu: 0.0.44.dev20260713+nightly
codegen_flags: <defaults>
</compile_context>

<pallas_src>
import functools

import jax
import jax.numpy as jnp
from jax import lax
from jax.experimental import pallas as pl
from jax.experimental.pallas import tpu as pltpu
from jax.experimental.pallas import tpu_sc as plsc

Q = 1024
K = 100000
D = 128
P = 10
TOPK = 10

KB = 2048
NSTEP = 49
KPAD = NSTEP * KB
SEG = 128
SEGS_PER_STEP = KB // SEG
NSEG = KPAD // SEG
NSEL = 12
NEG = -1e30


def _scores_body(q_ref, k_ref, p_ref, scores_ref, segmax_ref):
    step = pl.program_id(0)
    qs = q_ref[...]
    kb = k_ref[...]
    pj = p_ref[...]
    norm = jnp.sqrt(jnp.sum(pj * pj, axis=1, keepdims=True))
    pjn = pj / (norm + 1e-12)
    cdims = (((1,), (1,)), ((), ()))
    hq = (lax.dot_general(qs, pjn, cdims) > 0).astype(jnp.float32)
    hk = (lax.dot_general(kb, pjn, cdims) > 0).astype(jnp.float32)
    exact = lax.dot_general(qs, kb, cdims)
    hsim = lax.dot_general(hq.astype(jnp.bfloat16), hk.astype(jnp.bfloat16),
                           cdims, preferred_element_type=jnp.float32)
    scores = exact + 0.1 * hsim
    lane = lax.broadcasted_iota(jnp.int32, (1, KB), 1)
    scores = jnp.where(lane < K - step * KB, scores, NEG)
    for j in range(SEGS_PER_STEP):
        scores_ref[j * Q:(j + 1) * Q, :] = scores[:, j * SEG:(j + 1) * SEG]
    segs = [jnp.max(scores[:, i * SEG:(i + 1) * SEG], axis=1, keepdims=True)
            for i in range(SEGS_PER_STEP)]
    segs.append(jnp.full((Q, SEG - SEGS_PER_STEP), NEG, jnp.float32))
    m = jnp.concatenate(segs, axis=1)
    segmax_ref[...] = m.T[:SEGS_PER_STEP, :]


def _select_body(m_ref, rowid_ref):
    sm = m_ref[...]
    sid = lax.broadcasted_iota(jnp.int32, (NSEG, Q), 0)
    vals = sm
    sels = []
    for _ in range(NSEL):
        mx = jnp.max(vals, axis=0, keepdims=True)
        pick = jnp.min(jnp.where(vals == mx, sid, jnp.int32(NSEG)),
                       axis=0, keepdims=True)
        sels.append(pick)
        vals = jnp.where(sid == pick, NEG, vals)
    sel_t = jnp.concatenate(
        sels + [jnp.zeros((SEG - NSEL, Q), jnp.int32)], axis=0)
    sel_qm = sel_t.T[:, :NSEL]
    qid = lax.broadcasted_iota(jnp.int32, (Q, NSEL), 0)
    rowid_ref[...] = sel_qm * jnp.int32(Q) + qid


def _final_body(g_ref, rid_ref, topi_ref):
    g = g_ref[...]
    rid = rid_ref[...]
    sel = rid // jnp.int32(Q)
    segrep = jnp.concatenate(
        [jnp.broadcast_to(sel[:, j:j + 1], (Q, SEG)) for j in range(NSEL)],
        axis=1)
    t = lax.broadcasted_iota(jnp.int32, (Q, NSEL * SEG), 1) % jnp.int32(SEG)
    gidx = segrep * jnp.int32(SEG) + t
    vals = g
    picks = []
    for _ in range(TOPK):
        mx = jnp.max(vals, axis=1, keepdims=True)
        pick = jnp.min(jnp.where(vals == mx, gidx, jnp.int32(2 ** 30)),
                       axis=1, keepdims=True)
        picks.append(pick)
        vals = jnp.where((vals == mx) & (gidx == pick), NEG, vals)
    topi_ref[...] = jnp.concatenate(
        picks + [jnp.zeros((Q, NSEL - TOPK), jnp.int32)], axis=1)


def _mlp_body(q_ref, c_ref, w1_ref, b1_ref, w2_ref, b2_ref, link_ref):
    qs = q_ref[...]
    w1 = w1_ref[...]
    b1 = b1_ref[...]
    w2 = w2_ref[...]
    b2 = b2_ref[0, 0]
    cols = []
    for j in range(TOPK):
        cj = c_ref[:, j * D:(j + 1) * D]
        pair = jnp.concatenate([qs, cj], axis=1)
        h = jnp.maximum(
            lax.dot_general(pair, w1, (((1,), (0,)), ((), ()))) + b1, 0.0)
        s = jnp.sum(h * w2, axis=1, keepdims=True) + b2
        cols.append(s)
    link = jax.nn.sigmoid(jnp.concatenate(
        cols + [jnp.zeros((Q, NSEL - TOPK), jnp.float32)], axis=1))
    link_ref[...] = link


def _sc_gather(table, idx):
    B = idx.shape[0]
    Dw = table.shape[1]
    NW = 32
    b_per_w = B // NW
    mesh = plsc.VectorSubcoreMesh(core_axis_name="c", subcore_axis_name="s")

    @functools.partial(
        pl.kernel, mesh=mesh,
        out_type=jax.ShapeDtypeStruct((B, Dw), jnp.float32),
        scratch_types=[
            pltpu.VMEM((b_per_w,), jnp.int32),
            pltpu.VMEM((b_per_w, Dw), jnp.float32),
            pltpu.SemaphoreType.DMA,
        ],
    )
    def k(table_hbm, idx_hbm, out_hbm, idx_v, rows_v, sem):
        wid = lax.axis_index("s") * 2 + lax.axis_index("c")
        base = wid * b_per_w
        pltpu.sync_copy(idx_hbm.at[pl.ds(base, b_per_w)], idx_v)
        pltpu.async_copy(table_hbm.at[idx_v], rows_v, sem).wait()
        pltpu.sync_copy(rows_v, out_hbm.at[pl.ds(base, b_per_w)])

    return k(table, idx)


def kernel(queries, keys, projections, W1, b1, W2, b2, top_k):
    proj_pad = jnp.pad(projections, ((0, 16 - P), (0, 0)))

    scores, segmax_t = pl.pallas_call(
        _scores_body,
        grid=(NSTEP,),
        in_specs=[
            pl.BlockSpec((Q, D), lambda k: (0, 0)),
            pl.BlockSpec((KB, D), lambda k: (k, 0)),
            pl.BlockSpec((16, D), lambda k: (0, 0)),
        ],
        out_specs=[
            pl.BlockSpec((SEGS_PER_STEP * Q, SEG), lambda k: (k, 0)),
            pl.BlockSpec((SEGS_PER_STEP, Q), lambda k: (k, 0)),
        ],
        out_shape=[
            jax.ShapeDtypeStruct((NSEG * Q, SEG), jnp.float32),
            jax.ShapeDtypeStruct((NSEG, Q), jnp.float32),
        ],
    )(queries, keys, proj_pad)

    rowid = pl.pallas_call(
        _select_body,
        out_shape=jax.ShapeDtypeStruct((Q, NSEL), jnp.int32),
    )(segmax_t)

    gathered = _sc_gather(scores, rowid.reshape(-1))

    topi16 = pl.pallas_call(
        _final_body,
        out_shape=jax.ShapeDtypeStruct((Q, NSEL), jnp.int32),
    )(gathered.reshape(Q, NSEL * SEG), rowid)
    topi = topi16[:, :TOPK]

    cand = _sc_gather(keys, topi.reshape(-1))

    link16 = pl.pallas_call(
        _mlp_body,
        out_shape=jax.ShapeDtypeStruct((Q, NSEL), jnp.float32),
    )(queries, cand.reshape(Q, TOPK * D), W1, b1.reshape(1, D),
      W2.reshape(1, D), b2.reshape(1, 1))

    return link16[:, :TOPK], topi

# --- scband reference (transcript-rebuilt; emitter-appended) ---
"""Pipeline reference for scband-fusion-graph-builder-87265145520223 (READ-ONLY COPY).

The authoritative reference and input builder live on the scoring server;
editing this copy changes nothing except your own understanding.
"""

import jax, jax.numpy as jnp
import numpy as np

Q, K, D, P, TOPK = 1024, 100000, 128, 10, 10

def setup_inputs(seed: int = 0) -> dict:
    key = jax.random.key(seed)
    ks = jax.random.split(key, 6)
    queries = jax.random.normal(ks[0], (Q, D), dtype=jnp.float32)
    keys = jax.random.normal(ks[1], (K, D), dtype=jnp.float32)
    # LSH random projections (module lazily creates these; n_projections=10, proj_dim=hidden_dim)
    projections = jax.random.normal(ks[2], (P, D), dtype=jnp.float32)
    # link_predictor: Linear(2*hidden, hidden) -> ReLU -> Linear(hidden, 1) -> Sigmoid
    W1 = jax.random.normal(ks[3], (2 * D, D), dtype=jnp.float32) * 0.05
    b1 = jnp.zeros((D,), dtype=jnp.float32)
    W2 = jax.random.normal(ks[4], (D, 1), dtype=jnp.float32) * 0.05
    b2 = jnp.zeros((1,), dtype=jnp.float32)
    return {"queries": queries, "keys": keys, "projections": projections,
            "W1": W1, "b1": b1, "W2": W2, "b2": b2, "top_k": TOPK}

def reference(queries, keys, projections, W1, b1, W2, b2, top_k):
    # _init_lsh_projections: F.normalize(projections, p=2, dim=1)
    proj = projections / (jnp.linalg.norm(projections, axis=1, keepdims=True) + 1e-12)
    # _compute_lsh_hash for queries and corpus keys
    hq = (queries @ proj.T > 0).astype(jnp.float32)   # [Q, P]
    hk = (keys @ proj.T > 0).astype(jnp.float32)      # [K, P]
    hash_sim = hq @ hk.T                               # [Q, K] hash-bucket agreement
    exact = queries @ keys.T                           # [Q, K] exact similarity (compute-heavy)
    scores = exact + 0.1 * hash_sim
    topv, topi = jax.lax.top_k(scores, TOPK)           # [Q, top_k]
    topi = topi + (top_k - top_k)
    cand = jnp.take(keys, topi, axis=0)                # [Q, top_k, D] gather candidates
    qexp = jnp.broadcast_to(queries[:, None, :], cand.shape)
    pair = jnp.concatenate([qexp, cand], axis=-1)      # [Q, top_k, 2D]
    h = jax.nn.relu(pair @ W1 + b1)
    link = jax.nn.sigmoid(h @ W2 + b2)[..., 0]         # [Q, top_k] link probabilities
    return link, topi

if __name__ == "__main__":
    import jax
    _d = setup_inputs()
    print(jax.jit(kernel)(*tuple(_d.values())))

</pallas_src>

<mosaic_0001>
#map = affine_map<(d0, d1) -> (0, 0)>
#map1 = affine_map<(d0, d1) -> (0)>
module attributes {stable_mosaic.version = 14 : i64} {
  func.func @k(%arg0: i32, %arg1: i32, %arg2: memref<802816x128xf32, #tpu.memory_space<hbm>>, %arg3: memref<12288xi32, #tpu.memory_space<hbm>>, %arg4: memref<12288x128xf32, #tpu.memory_space<hbm>>, %arg5: memref<384xi32, #tpu.memory_space<vmem>>, %arg6: memref<384x128xf32, #tpu.memory_space<vmem>>, %arg7: memref<!tpu.dma_semaphore, #tpu.memory_space<semaphore_mem>>) attributes {dimension_semantics = [#tpu.dimension_semantics<core_parallel>, #tpu.dimension_semantics<subcore_parallel>], iteration_bounds = array<i64: 2, 16>, scalar_prefetch = 0 : i64, scratch_operands = 3 : i64, tpu.core_type = #tpu.core_type<sc_vector_subcore>, window_params = [{transform_indices = #map}, {transform_indices = #map1}, {transform_indices = #map}]} {
    %mul3A = arith.constant 2 : i32
    %mul3A_0 = arith.muli %arg1, %mul3A : i32
    %add3A = arith.addi %mul3A_0, %arg0 : i32
    %mul3A_1 = arith.constant 384 : i32
    %mul3A_2 = arith.muli %add3A, %mul3A_1 : i32
    "tpu.region"() ({
      %run_scoped3A = tpu.sem_alloc : memref<!tpu.dma_semaphore, #tpu.memory_space<semaphore_mem>>
      %dma_start3A_7 = tpu.memref_slice %arg3[%mul3A_2] : memref<12288xi32, #tpu.memory_space<hbm>> -> memref<384xi32, #tpu.memory_space<hbm>>
      %dma_start3A_8 = tpu.memref_slice %arg3[%mul3A_2] : memref<12288xi32, #tpu.memory_space<hbm>> -> memref<384xi32, #tpu.memory_space<hbm>>
      tpu.enqueue_dma source(%dma_start3A_8 : memref<384xi32, #tpu.memory_space<hbm>>) target(%arg5 : memref<384xi32, #tpu.memory_space<vmem>>) target_semaphore(%run_scoped3A : memref<!tpu.dma_semaphore, #tpu.memory_space<semaphore_mem>>)
      %dma_wait3A_9 = tpu.memref_slice %arg3[%mul3A_2] : memref<12288xi32, #tpu.memory_space<hbm>> -> memref<384xi32, #tpu.memory_space<hbm>>
      %dma_wait3A_10 = tpu.memref_slice %arg3[%mul3A_2] : memref<12288xi32, #tpu.memory_space<hbm>> -> memref<384xi32, #tpu.memory_space<hbm>>
      tpu.wait_dma2 semaphore(%run_scoped3A : memref<!tpu.dma_semaphore, #tpu.memory_space<semaphore_mem>>) src(%dma_wait3A_10 : memref<384xi32, #tpu.memory_space<hbm>>) dst(%arg5 : memref<384xi32, #tpu.memory_space<vmem>>)
      tpu.yield
    }) : () -> ()
    %dma_start3A = arith.constant 0 : i32
    %dma_start3A_3 = arith.constant 0 : i32
    %dma_start3A_4 = tpu.memref_slice %arg2[%dma_start3A, %dma_start3A_3] : memref<802816x128xf32, #tpu.memory_space<hbm>> -> memref<802816x128xf32, #tpu.memory_space<hbm>>
    tpu.enqueue_indirect_dma source(%dma_start3A_4 : memref<802816x128xf32, #tpu.memory_space<hbm>>) target(%arg6 : memref<384x128xf32, #tpu.memory_space<vmem>>) offsets(%arg5 : memref<384xi32, #tpu.memory_space<vmem>>) semaphore(%arg7 : memref<!tpu.dma_semaphore, #tpu.memory_space<semaphore_mem>>)
    %dma_wait3A = arith.constant 0 : i32
    %dma_wait3A_5 = arith.constant 0 : i32
    %dma_wait3A_6 = tpu.memref_slice %arg2[%dma_wait3A, %dma_wait3A_5] : memref<802816x128xf32, #tpu.memory_space<hbm>> -> memref<802816x128xf32, #tpu.memory_space<hbm>>
    tpu.wait_indirect_dma semaphore(%arg7 : memref<!tpu.dma_semaphore, #tpu.memory_space<semaphore_mem>>) src(%dma_wait3A_6 : memref<802816x128xf32, #tpu.memory_space<hbm>>) dst(%arg6 : memref<384x128xf32, #tpu.memory_space<vmem>>)
    "tpu.region"() ({
      %run_scoped3A = tpu.sem_alloc : memref<!tpu.dma_semaphore, #tpu.memory_space<semaphore_mem>>
      %dma_start3A_7 = arith.constant 0 : i32
      %dma_start3A_8 = tpu.memref_slice %arg4[%mul3A_2, %dma_start3A_7] : memref<12288x128xf32, #tpu.memory_space<hbm>> -> memref<384x128xf32, #tpu.memory_space<hbm>>
      %dma_start3A_9 = arith.constant 0 : i32
      %dma_start3A_10 = tpu.memref_slice %arg4[%mul3A_2, %dma_start3A_9] : memref<12288x128xf32, #tpu.memory_space<hbm>> -> memref<384x128xf32, #tpu.memory_space<hbm>>
      tpu.enqueue_dma source(%arg6 : memref<384x128xf32, #tpu.memory_space<vmem>>) target(%dma_start3A_10 : memref<384x128xf32, #tpu.memory_space<hbm>>) target_semaphore(%run_scoped3A : memref<!tpu.dma_semaphore, #tpu.memory_space<semaphore_mem>>)
      %dma_wait3A_11 = arith.constant 0 : i32
      %dma_wait3A_12 = tpu.memref_slice %arg4[%mul3A_2, %dma_wait3A_11] : memref<12288x128xf32, #tpu.memory_space<hbm>> -> memref<384x128xf32, #tpu.memory_space<hbm>>
      %dma_wait3A_13 = arith.constant 0 : i32
      %dma_wait3A_14 = tpu.memref_slice %arg4[%mul3A_2, %dma_wait3A_13] : memref<12288x128xf32, #tpu.memory_space<hbm>> -> memref<384x128xf32, #tpu.memory_space<hbm>>
      tpu.wait_dma2 semaphore(%run_scoped3A : memref<!tpu.dma_semaphore, #tpu.memory_space<semaphore_mem>>) src(%arg6 : memref<384x128xf32, #tpu.memory_space<vmem>>) dst(%dma_wait3A_14 : memref<384x128xf32, #tpu.memory_space<hbm>>)
      tpu.yield
    }) : () -> ()
    return
  }
}

#map = affine_map<(d0, d1) -> (0, 0)>
#map1 = affine_map<(d0, d1) -> (0)>
module attributes {stable_mosaic.version = 14 : i64} {
  func.func @k(%arg0: i32, %arg1: i32, %arg2: memref<100000x128xf32, #tpu.memory_space<hbm>>, %arg3: memref<10240xi32, #tpu.memory_space<hbm>>, %arg4: memref<10240x128xf32, #tpu.memory_space<hbm>>, %arg5: memref<320xi32, #tpu.memory_space<vmem>>, %arg6: memref<320x128xf32, #tpu.memory_space<vmem>>, %arg7: memref<!tpu.dma_semaphore, #tpu.memory_space<semaphore_mem>>) attributes {dimension_semantics = [#tpu.dimension_semantics<core_parallel>, #tpu.dimension_semantics<subcore_parallel>], iteration_bounds = array<i64: 2, 16>, scalar_prefetch = 0 : i64, scratch_operands = 3 : i64, tpu.core_type = #tpu.core_type<sc_vector_subcore>, window_params = [{transform_indices = #map}, {transform_indices = #map1}, {transform_indices = #map}]} {
    %mul3A = arith.constant 2 : i32
    %mul3A_0 = arith.muli %arg1, %mul3A : i32
    %add3A = arith.addi %mul3A_0, %arg0 : i32
    %mul3A_1 = arith.constant 320 : i32
    %mul3A_2 = arith.muli %add3A, %mul3A_1 : i32
    "tpu.region"() ({
      %run_scoped3A = tpu.sem_alloc : memref<!tpu.dma_semaphore, #tpu.memory_space<semaphore_mem>>
      %dma_start3A_7 = tpu.memref_slice %arg3[%mul3A_2] : memref<10240xi32, #tpu.memory_space<hbm>> -> memref<320xi32, #tpu.memory_space<hbm>>
      %dma_start3A_8 = tpu.memref_slice %arg3[%mul3A_2] : memref<10240xi32, #tpu.memory_space<hbm>> -> memref<320xi32, #tpu.memory_space<hbm>>
      tpu.enqueue_dma source(%dma_start3A_8 : memref<320xi32, #tpu.memory_space<hbm>>) target(%arg5 : memref<320xi32, #tpu.memory_space<vmem>>) target_semaphore(%run_scoped3A : memref<!tpu.dma_semaphore, #tpu.memory_space<semaphore_mem>>)
      %dma_wait3A_9 = tpu.memref_slice %arg3[%mul3A_2] : memref<10240xi32, #tpu.memory_space<hbm>> -> memref<320xi32, #tpu.memory_space<hbm>>
      %dma_wait3A_10 = tpu.memref_slice %arg3[%mul3A_2] : memref<10240xi32, #tpu.memory_space<hbm>> -> memref<320xi32, #tpu.memory_space<hbm>>
      tpu.wait_dma2 semaphore(%run_scoped3A : memref<!tpu.dma_semaphore, #tpu.memory_space<semaphore_mem>>) src(%dma_wait3A_10 : memref<320xi32, #tpu.memory_space<hbm>>) dst(%arg5 : memref<320xi32, #tpu.memory_space<vmem>>)
      tpu.yield
    }) : () -> ()
    %dma_start3A = arith.constant 0 : i32
    %dma_start3A_3 = arith.constant 0 : i32
    %dma_start3A_4 = tpu.memref_slice %arg2[%dma_start3A, %dma_start3A_3] : memref<100000x128xf32, #tpu.memory_space<hbm>> -> memref<100000x128xf32, #tpu.memory_space<hbm>>
    tpu.enqueue_indirect_dma source(%dma_start3A_4 : memref<100000x128xf32, #tpu.memory_space<hbm>>) target(%arg6 : memref<320x128xf32, #tpu.memory_space<vmem>>) offsets(%arg5 : memref<320xi32, #tpu.memory_space<vmem>>) semaphore(%arg7 : memref<!tpu.dma_semaphore, #tpu.memory_space<semaphore_mem>>)
    %dma_wait3A = arith.constant 0 : i32
    %dma_wait3A_5 = arith.constant 0 : i32
    %dma_wait3A_6 = tpu.memref_slice %arg2[%dma_wait3A, %dma_wait3A_5] : memref<100000x128xf32, #tpu.memory_space<hbm>> -> memref<100000x128xf32, #tpu.memory_space<hbm>>
    tpu.wait_indirect_dma semaphore(%arg7 : memref<!tpu.dma_semaphore, #tpu.memory_space<semaphore_mem>>) src(%dma_wait3A_6 : memref<100000x128xf32, #tpu.memory_space<hbm>>) dst(%arg6 : memref<320x128xf32, #tpu.memory_space<vmem>>)
    "tpu.region"() ({
      %run_scoped3A = tpu.sem_alloc : memref<!tpu.dma_semaphore, #tpu.memory_space<semaphore_mem>>
      %dma_start3A_7 = arith.constant 0 : i32
      %dma_start3A_8 = tpu.memref_slice %arg4[%mul3A_2, %dma_start3A_7] : memref<10240x128xf32, #tpu.memory_space<hbm>> -> memref<320x128xf32, #tpu.memory_space<hbm>>
      %dma_start3A_9 = arith.constant 0 : i32
      %dma_start3A_10 = tpu.memref_slice %arg4[%mul3A_2, %dma_start3A_9] : memref<10240x128xf32, #tpu.memory_space<hbm>> -> memref<320x128xf32, #tpu.memory_space<hbm>>
      tpu.enqueue_dma source(%arg6 : memref<320x128xf32, #tpu.memory_space<vmem>>) target(%dma_start3A_10 : memref<320x128xf32, #tpu.memory_space<hbm>>) target_semaphore(%run_scoped3A : memref<!tpu.dma_semaphore, #tpu.memory_space<semaphore_mem>>)
      %dma_wait3A_11 = arith.constant 0 : i32
      %dma_wait3A_12 = tpu.memref_slice %arg4[%mul3A_2, %dma_wait3A_11] : memref<10240x128xf32, #tpu.memory_space<hbm>> -> memref<320x128xf32, #tpu.memory_space<hbm>>
      %dma_wait3A_13 = arith.constant 0 : i32
      %dma_wait3A_14 = tpu.memref_slice %arg4[%mul3A_2, %dma_wait3A_13] : memref<10240x128xf32, #tpu.memory_space<hbm>> -> memref<320x128xf32, #tpu.memory_space<hbm>>
      tpu.wait_dma2 semaphore(%run_scoped3A : memref<!tpu.dma_semaphore, #tpu.memory_space<semaphore_mem>>) src(%arg6 : memref<320x128xf32, #tpu.memory_space<vmem>>) dst(%dma_wait3A_14 : memref<320x128xf32, #tpu.memory_space<hbm>>)
      tpu.yield
    }) : () -> ()
    return
  }
}

module attributes {stable_mosaic.version = 14 : i64} {
  func.func @_scores_body(%arg0: i32, %arg1: memref<1024x128xf32, #tpu.memory_space<vmem>>, %arg2: memref<2048x128xf32, #tpu.memory_space<vmem>>, %arg3: memref<16x128xf32, #tpu.memory_space<vmem>>, %arg4: memref<16384x128xf32, #tpu.memory_space<vmem>>, %arg5: memref<16x1024xf32, #tpu.memory_space<vmem>>) attributes {dimension_semantics = [#tpu.dimension_semantics<arbitrary>], iteration_bounds = array<i64: 49>, scalar_prefetch = 0 : i64, scratch_operands = 0 : i64, tpu.core_type = #tpu.core_type<tc>, window_params = [{pipeline_mode = #tpu.pipeline_mode<synchronous>, transform_indices = @transform_0, window_bounds = array<i64: 1024, 128>}, {transform_indices = @transform_1, window_bounds = array<i64: 2048, 128>}, {pipeline_mode = #tpu.pipeline_mode<synchronous>, transform_indices = @transform_2, window_bounds = array<i64: 16, 128>}, {transform_indices = @transform_3, window_bounds = array<i64: 16384, 128>}, {transform_indices = @transform_4, window_bounds = array<i64: 16, 1024>}]} {
    %get3A = arith.constant 0 : index
    %get3A_0 = arith.constant 0 : index
    %get3A_1 = vector.load %arg1[%get3A, %get3A_0] : memref<1024x128xf32, #tpu.memory_space<vmem>>, vector<1024x128xf32>
    %get3A_2 = arith.constant 0 : index
    %get3A_3 = arith.constant 0 : index
    %get3A_4 = vector.load %arg2[%get3A_2, %get3A_3] : memref<2048x128xf32, #tpu.memory_space<vmem>>, vector<2048x128xf32>
    %get3A_5 = arith.constant 0 : index
    %get3A_6 = arith.constant 0 : index
    %get3A_7 = vector.load %arg3[%get3A_5, %get3A_6] : memref<16x128xf32, #tpu.memory_space<vmem>>, vector<16x128xf32>
    %mul3A = arith.mulf %get3A_7, %get3A_7 : vector<16x128xf32>
    %reduce_sum3A = arith.constant dense<0.000000e+00> : vector<16xf32>
    %reduce_sum3A_8 = vector.multi_reduction <add>, %mul3A, %reduce_sum3A [1] : vector<16x128xf32> to vector<16xf32>
    %broadcast_in_dim3A = vector.shape_cast %reduce_sum3A_8 : vector<16xf32> to vector<16x1xf32>
    %sqrt3A = math.sqrt %broadcast_in_dim3A : vector<16x1xf32>
    %add3A = arith.constant 9.99999996E-13 : f32
    %add3A_9 = vector.broadcast %add3A : f32 to vector<16x1xf32>
    %add3A_10 = arith.addf %sqrt3A, %add3A_9 : vector<16x1xf32>
    %div3A = vector.broadcast %add3A_10 : vector<16x1xf32> to vector<16x128xf32>
    %div3A_11 = arith.divf %get3A_7, %div3A : vector<16x128xf32>
    %dot_general3A = arith.constant dense<0.000000e+00> : vector<1024x16xf32>
    %dot_general3A_12 = tpu.matmul %get3A_1, %div3A_11, %dot_general3A {dimension_numbers = #tpu.dot_dimension_numbers<[1], [1], [0], [0], [0, 0, 1, 0], [], []>, transpose_lhs_hint = false} : vector<1024x128xf32>, vector<16x128xf32>, vector<1024x16xf32> -> vector<1024x16xf32>
    %gt3A = arith.constant 0.000000e+00 : f32
    %gt3A_13 = vector.broadcast %gt3A : f32 to vector<1024x16xf32>
    %gt3A_14 = arith.cmpf ogt, %dot_general3A_12, %gt3A_13 : vector<1024x16xf32>
    %convert_element_type3A = arith.extui %gt3A_14 : vector<1024x16xi1> to vector<1024x16xi32>
    %convert_element_type3A_15 = arith.sitofp %convert_element_type3A : vector<1024x16xi32> to vector<1024x16xf32>
    %dot_general3A_16 = arith.constant dense<0.000000e+00> : vector<2048x16xf32>
    %dot_general3A_17 = tpu.matmul %get3A_4, %div3A_11, %dot_general3A_16 {dimension_numbers = #tpu.dot_dimension_numbers<[1], [1], [0], [0], [0, 0, 1, 0], [], []>, transpose_lhs_hint = false} : vector<2048x128xf32>, vector<16x128xf32>, vector<2048x16xf32> -> vector<2048x16xf32>
    %gt3A_18 = arith.constant 0.000000e+00 : f32
    %gt3A_19 = vector.broadcast %gt3A_18 : f32 to vector<2048x16xf32>
    %gt3A_20 = arith.cmpf ogt, %dot_general3A_17, %gt3A_19 : vector<2048x16xf32>
    %convert_element_type3A_21 = arith.extui %gt3A_20 : vector<2048x16xi1> to vector<2048x16xi32>
    %convert_element_type3A_22 = arith.sitofp %convert_element_type3A_21 : vector<2048x16xi32> to vector<2048x16xf32>
    %dot_general3A_23 = arith.constant dense<0.000000e+00> : vector<1024x2048xf32>
    %dot_general3A_24 = tpu.matmul %get3A_1, %get3A_4, %dot_general3A_23 {dimension_numbers = #tpu.dot_dimension_numbers<[1], [1], [0], [0], [0, 0, 1, 0], [], []>, transpose_lhs_hint = false} : vector<1024x128xf32>, vector<2048x128xf32>, vector<1024x2048xf32> -> vector<1024x2048xf32>
    %convert_element_type3A_25 = arith.truncf %convert_element_type3A_15 : vector<1024x16xf32> to vector<1024x16xbf16>
    %convert_element_type3A_26 = arith.truncf %convert_element_type3A_22 : vector<2048x16xf32> to vector<2048x16xbf16>
    %dot_general3A_27 = arith.constant dense<0.000000e+00> : vector<1024x2048xf32>
    %dot_general3A_28 = tpu.matmul %convert_element_type3A_25, %convert_element_type3A_26, %dot_general3A_27 {dimension_numbers = #tpu.dot_dimension_numbers<[1], [1], [0], [0], [0, 0, 1, 0], [], []>, transpose_lhs_hint = false} : vector<1024x16xbf16>, vector<2048x16xbf16>, vector<1024x2048xf32> -> vector<1024x2048xf32>
    %mul3A_29 = arith.constant 1.000000e-01 : f32
    %mul3A_30 = vector.broadcast %mul3A_29 : f32 to vector<1024x2048xf32>
    %mul3A_31 = arith.mulf %mul3A_30, %dot_general3A_28 : vector<1024x2048xf32>
    %add3A_32 = arith.addf %dot_general3A_24, %mul3A_31 : vector<1024x2048xf32>
    %iota3A = tpu.iota {dimensions = array<i32: 1>} : vector<1x2048xi32>
    %mul3A_33 = arith.constant 2048 : i32
    %mul3A_34 = arith.muli %arg0, %mul3A_33 : i32
    %sub3A = arith.constant 100000 : i32
    %sub3A_35 = arith.subi %sub3A, %mul3A_34 : i32
    %lt3A = vector.broadcast %sub3A_35 : i32 to vector<1x2048xi32>
    %lt3A_36 = arith.cmpi slt, %iota3A, %lt3A : vector<1x2048xi32>
    %jit3A = arith.constant -1.000000e+30 : f32
    %broadcast_in_dim3A_37 = vector.shape_cast %lt3A_36 : vector<1x2048xi1> to vector<1x2048xi1>
    %broadcast_in_dim3A_38 = vector.broadcast %broadcast_in_dim3A_37 : vector<1x2048xi1> to vector<1024x2048xi1>
    %broadcast_in_dim3A_39 = vector.broadcast %jit3A : f32 to vector<1024x2048xf32>
    %select_n3A = arith.select %broadcast_in_dim3A_38, %add3A_32, %broadcast_in_dim3A_39 : vector<1024x2048xi1>, vector<1024x2048xf32>
    %slice3A = vector.extract_strided_slice %select_n3A {offsets = [0, 0], sizes = [1024, 128], strides = [1, 1]} : vector<1024x2048xf32> to vector<1024x128xf32>
    %swap3A = arith.constant 0 : index
    %swap3A_40 = arith.constant 0 : index
    %swap3A_41 = vector.load %arg4[%swap3A, %swap3A_40] : memref<16384x128xf32, #tpu.memory_space<vmem>>, vector<1024x128xf32>
    tpu.vector_store %arg4[%swap3A, %swap3A_40], %slice3A {strides = array<i32>} : memref<16384x128xf32, #tpu.memory_space<vmem>>, vector<1024x128xf32>,
    %slice3A_42 = vector.extract_strided_slice %select_n3A {offsets = [0, 128], sizes = [1024, 128], strides = [1, 1]} : vector<1024x2048xf32> to vector<1024x128xf32>
    %swap3A_43 = arith.constant 1024 : index
    %swap3A_44 = arith.constant 0 : index
    %swap3A_45 = vector.load %arg4[%swap3A_43, %swap3A_44] : memref<16384x128xf32, #tpu.memory_space<vmem>>, vector<1024x128xf32>
    tpu.vector_store %arg4[%swap3A_43, %swap3A_44], %slice3A_42 {strides = array<i32>} : memref<16384x128xf32, #tpu.memory_space<vmem>>, vector<1024x128xf32>,
    %slice3A_46 = vector.extract_strided_slice %select_n3A {offsets = [0, 256], sizes = [1024, 128], strides = [1, 1]} : vector<1024x2048xf32> to vector<1024x128xf32>
    %swap3A_47 = arith.constant 2048 : index
    %swap3A_48 = arith.constant 0 : index
    %swap3A_49 = vector.load %arg4[%swap3A_47, %swap3A_48] : memref<16384x128xf32, #tpu.memory_space<vmem>>, vector<1024x128xf32>
    tpu.vector_store %arg4[%swap3A_47, %swap3A_48], %slice3A_46 {strides = array<i32>} : memref<16384x128xf32, #tpu.memory_space<vmem>>, vector<1024x128xf32>,
    %slice3A_50 = vector.extract_strided_slice %select_n3A {offsets = [0, 384], sizes = [1024, 128], strides = [1, 1]} : vector<1024x2048xf32> to vector<1024x128xf32>
    %swap3A_51 = arith.constant 3072 : index
    %swap3A_52 = arith.constant 0 : index
    %swap3A_53 = vector.load %arg4[%swap3A_51, %swap3A_52] : memref<16384x128xf32, #tpu.memory_space<vmem>>, vector<1024x128xf32>
    tpu.vector_store %arg4[%swap3A_51, %swap3A_52], %slice3A_50 {strides = array<i32>} : memref<16384x128xf32, #tpu.memory_space<vmem>>, vector<1024x128xf32>,
    %slice3A_54 = vector.extract_strided_slice %select_n3A {offsets = [0, 512], sizes = [1024, 128], strides = [1, 1]} : vector<1024x2048xf32> to vector<1024x128xf32>
    %swap3A_55 = arith.constant 4096 : index
    %swap3A_56 = arith.constant 0 : index
    %swap3A_57 = vector.load %arg4[%swap3A_55, %swap3A_56] : memref<16384x128xf32, #tpu.memory_space<vmem>>, vector<1024x128xf32>
    tpu.vector_store %arg4[%swap3A_55, %swap3A_56], %slice3A_54 {strides = array<i32>} : memref<16384x128xf32, #tpu.memory_space<vmem>>, vector<1024x128xf32>,
    %slice3A_58 = vector.extract_strided_slice %select_n3A {offsets = [0, 640], sizes = [1024, 128], strides = [1, 1]} : vector<1024x2048xf32> to vector<1024x128xf32>
    %swap3A_59 = arith.constant 5120 : index
    %swap3A_60 = arith.constant 0 : index
    %swap3A_61 = vector.load %arg4[%swap3A_59, %swap3A_60] : memref<16384x128xf32, #tpu.memory_space<vmem>>, vector<1024x128xf32>
    tpu.vector_store %arg4[%swap3A_59, %swap3A_60], %slice3A_58 {strides = array<i32>} : memref<16384x128xf32, #tpu.memory_space<vmem>>, vector<1024x128xf32>,
    %slice3A_62 = vector.extract_strided_slice %select_n3A {offsets = [0, 768], sizes = [1024, 128], strides = [1, 1]} : vector<1024x2048xf32> to vector<1024x128xf32>
    %swap3A_63 = arith.constant 6144 : index
    %swap3A_64 = arith.constant 0 : index
    %swap3A_65 = vector.load %arg4[%swap3A_63, %swap3A_64] : memref<16384x128xf32, #tpu.memory_space<vmem>>, vector<1024x128xf32>
    tpu.vector_store %arg4[%swap3A_63, %swap3A_64], %slice3A_62 {strides = array<i32>} : memref<16384x128xf32, #tpu.memory_space<vmem>>, vector<1024x128xf32>,
    %slice3A_66 = vector.extract_strided_slice %select_n3A {offsets = [0, 896], sizes = [1024, 128], strides = [1, 1]} : vector<1024x2048xf32> to vector<1024x128xf32>
    %swap3A_67 = arith.constant 7168 : index
    %swap3A_68 = arith.constant 0 : index
    %swap3A_69 = vector.load %arg4[%swap3A_67, %swap3A_68] : memref<16384x128xf32, #tpu.memory_space<vmem>>, vector<1024x128xf32>
    tpu.vector_store %arg4[%swap3A_67, %swap3A_68], %slice3A_66 {strides = array<i32>} : memref<16384x128xf32, #tpu.memory_space<vmem>>, vector<1024x128xf32>,
    %slice3A_70 = vector.extract_strided_slice %select_n3A {offsets = [0, 1024], sizes = [1024, 128], strides = [1, 1]} : vector<1024x2048xf32> to vector<1024x128xf32>
    %swap3A_71 = arith.constant 8192 : index
    %swap3A_72 = arith.constant 0 : index
    %swap3A_73 = vector.load %arg4[%swap3A_71, %swap3A_72] : memref<16384x128xf32, #tpu.memory_space<vmem>>, vector<1024x128xf32>
    tpu.vector_store %arg4[%swap3A_71, %swap3A_72], %slice3A_70 {strides = array<i32>} : memref<16384x128xf32, #tpu.memory_space<vmem>>, vector<1024x128xf32>,
    %slice3A_74 = vector.extract_strided_slice %select_n3A {offsets = [0, 1152], sizes = [1024, 128], strides = [1, 1]} : vector<1024x2048xf32> to vector<1024x128xf32>
    %swap3A_75 = arith.constant 9216 : index
    %swap3A_76 = arith.constant 0 : index
    %swap3A_77 = vector.load %arg4[%swap3A_75, %swap3A_76] : memref<16384x128xf32, #tpu.memory_space<vmem>>, vector<1024x128xf32>
    tpu.vector_store %arg4[%swap3A_75, %swap3A_76], %slice3A_74 {strides = array<i32>} : memref<16384x128xf32, #tpu.memory_space<vmem>>, vector<1024x128xf32>,
    %slice3A_78 = vector.extract_strided_slice %select_n3A {offsets = [0, 1280], sizes = [1024, 128], strides = [1, 1]} : vector<1024x2048xf32> to vector<1024x128xf32>
    %swap3A_79 = arith.constant 10240 : index
    %swap3A_80 = arith.constant 0 : index
    %swap3A_81 = vector.load %arg4[%swap3A_79, %swap3A_80] : memref<16384x128xf32, #tpu.memory_space<vmem>>, vector<1024x128xf32>
    tpu.vector_store %arg4[%swap3A_79, %swap3A_80], %slice3A_78 {strides = array<i32>} : memref<16384x128xf32, #tpu.memory_space<vmem>>, vector<1024x128xf32>,
    %slice3A_82 = vector.extract_strided_slice %select_n3A {offsets = [0, 1408], sizes = [1024, 128], strides = [1, 1]} : vector<1024x2048xf32> to vector<1024x128xf32>
    %swap3A_83 = arith.constant 11264 : index
    %swap3A_84 = arith.constant 0 : index
    %swap3A_85 = vector.load %arg4[%swap3A_83, %swap3A_84] : memref<16384x128xf32, #tpu.memory_space<vmem>>, vector<1024x128xf32>
    tpu.vector_store %arg4[%swap3A_83, %swap3A_84], %slice3A_82 {strides = array<i32>} : memref<16384x128xf32, #tpu.memory_space<vmem>>, vector<1024x128xf32>,
    %slice3A_86 = vector.extract_strided_slice %select_n3A {offsets = [0, 1536], sizes = [1024, 128], strides = [1, 1]} : vector<1024x2048xf32> to vector<1024x128xf32>
    %swap3A_87 = arith.constant 12288 : index
    %swap3A_88 = arith.constant 0 : index
    %swap3A_89 = vector.load %arg4[%swap3A_87, %swap3A_88] : memref<16384x128xf32, #tpu.memory_space<vmem>>, vector<1024x128xf32>
    tpu.vector_store %arg4[%swap3A_87, %swap3A_88], %slice3A_86 {strides = array<i32>} : memref<16384x128xf32, #tpu.memory_space<vmem>>, vector<1024x128xf32>,
    %slice3A_90 = vector.extract_strided_slice %select_n3A {offsets = [0, 1664], sizes = [1024, 128], strides = [1, 1]} : vector<1024x2048xf32> to vector<1024x128xf32>
    %swap3A_91 = arith.constant 13312 : index
    %swap3A_92 = arith.constant 0 : index
    %swap3A_93 = vector.load %arg4[%swap3A_91, %swap3A_92] : memref<16384x128xf32, #tpu.memory_space<vmem>>, vector<1024x128xf32>
    tpu.vector_store %arg4[%swap3A_91, %swap3A_92], %slice3A_90 {strides = array<i32>} : memref<16384x128xf32, #tpu.memory_space<vmem>>, vector<1024x128xf32>,
    %slice3A_94 = vector.extract_strided_slice %select_n3A {offsets = [0, 1792], sizes = [1024, 128], strides = [1, 1]} : vector<1024x2048xf32> to vector<1024x128xf32>
    %swap3A_95 = arith.constant 14336 : index
    %swap3A_96 = arith.constant 0 : index
    %swap3A_97 = vector.load %arg4[%swap3A_95, %swap3A_96] : memref<16384x128xf32, #tpu.memory_space<vmem>>, vector<1024x128xf32>
    tpu.vector_store %arg4[%swap3A_95, %swap3A_96], %slice3A_94 {strides = array<i32>} : memref<16384x128xf32, #tpu.memory_space<vmem>>, vector<1024x128xf32>,
    %slice3A_98 = vector.extract_strided_slice %select_n3A {offsets = [0, 1920], sizes = [1024, 128], strides = [1, 1]} : vector<1024x2048xf32> to vector<1024x128xf32>
    %swap3A_99 = arith.constant 15360 : index
    %swap3A_100 = arith.constant 0 : index
    %swap3A_101 = vector.load %arg4[%swap3A_99, %swap3A_100] : memref<16384x128xf32, #tpu.memory_space<vmem>>, vector<1024x128xf32>
    tpu.vector_store %arg4[%swap3A_99, %swap3A_100], %slice3A_98 {strides = array<i32>} : memref<16384x128xf32, #tpu.memory_space<vmem>>, vector<1024x128xf32>,
    %slice3A_102 = vector.extract_strided_slice %select_n3A {offsets = [0, 0], sizes = [1024, 128], strides = [1, 1]} : vector<1024x2048xf32> to vector<1024x128xf32>
    %reduce_max3A = arith.constant dense<0xFF800000> : vector<1024xf32>
    %reduce_max3A_103 = vector.multi_reduction <maximumf>, %slice3A_102, %reduce_max3A [1] : vector<1024x128xf32> to vector<1024xf32>
    %broadcast_in_dim3A_104 = vector.shape_cast %reduce_max3A_103 : vector<1024xf32> to vector<1024x1xf32>
    %slice3A_105 = vector.extract_strided_slice %select_n3A {offsets = [0, 128], sizes = [1024, 128], strides = [1, 1]} : vector<1024x2048xf32> to vector<1024x128xf32>
    %reduce_max3A_106 = arith.constant dense<0xFF800000> : vector<1024xf32>
    %reduce_max3A_107 = vector.multi_reduction <maximumf>, %slice3A_105, %reduce_max3A_106 [1] : vector<1024x128xf32> to vector<1024xf32>
    %broadcast_in_dim3A_108 = vector.shape_cast %reduce_max3A_107 : vector<1024xf32> to vector<1024x1xf32>
    %slice3A_109 = vector.extract_strided_slice %select_n3A {offsets = [0, 256], sizes = [1024, 128], strides = [1, 1]} : vector<1024x2048xf32> to vector<1024x128xf32>
    %reduce_max3A_110 = arith.constant dense<0xFF800000> : vector<1024xf32>
    %reduce_max3A_111 = vector.multi_reduction <maximumf>, %slice3A_109, %reduce_max3A_110 [1] : vector<1024x128xf32> to vector<1024xf32>
    %broadcast_in_dim3A_112 = vector.shape_cast %reduce_max3A_111 : vector<1024xf32> to vector<1024x1xf32>
    %slice3A_113 = vector.extract_strided_slice %select_n3A {offsets = [0, 384], sizes = [1024, 128], strides = [1, 1]} : vector<1024x2048xf32> to vector<1024x128xf32>
    %reduce_max3A_114 = arith.constant dense<0xFF800000> : vector<1024xf32>
    %reduce_max3A_115 = vector.multi_reduction <maximumf>, %slice3A_113, %reduce_max3A_114 [1] : vector<1024x128xf32> to vector<1024xf32>
    %broadcast_in_dim3A_116 = vector.shape_cast %reduce_max3A_115 : vector<1024xf32> to vector<1024x1xf32>
    %slice3A_117 = vector.extract_strided_slice %select_n3A {offsets = [0, 512], sizes = [1024, 128], strides = [1, 1]} : vector<1024x2048xf32> to vector<1024x128xf32>
    %reduce_max3A_118 = arith.constant dense<0xFF800000> : vector<1024xf32>
    %reduce_max3A_119 = vector.multi_reduction <maximumf>, %slice3A_117, %reduce_max3A_118 [1] : vector<1024x128xf32> to vector<1024xf32>
    %broadcast_in_dim3A_120 = vector.shape_cast %reduce_max3A_119 : vector<1024xf32> to vector<1024x1xf32>
    %slice3A_121 = vector.extract_strided_slice %select_n3A {offsets = [0, 640], sizes = [1024, 128], strides = [1, 1]} : vector<1024x2048xf32> to vector<1024x128xf32>
    %reduce_max3A_122 = arith.constant dense<0xFF800000> : vector<1024xf32>
    %reduce_max3A_123 = vector.multi_reduction <maximumf>, %slice3A_121, %reduce_max3A_122 [1] : vector<1024x128xf32> to vector<1024xf32>
    %broadcast_in_dim3A_124 = vector.shape_cast %reduce_max3A_123 : vector<1024xf32> to vector<1024x1xf32>
    %slice3A_125 = vector.extract_strided_slice %select_n3A {offsets = [0, 768], sizes = [1024, 128], strides = [1, 1]} : vector<1024x2048xf32> to vector<1024x128xf32>
    %reduce_max3A_126 = arith.constant dense<0xFF800000> : vector<1024xf32>
    %reduce_max3A_127 = vector.multi_reduction <maximumf>, %slice3A_125, %reduce_max3A_126 [1] : vector<1024x128xf32> to vector<1024xf32>
    %broadcast_in_dim3A_128 = vector.shape_cast %reduce_max3A_127 : vector<1024xf32> to vector<1024x1xf32>
    %slice3A_129 = vector.extract_strided_slice %select_n3A {offsets = [0, 896], sizes = [1024, 128], strides = [1, 1]} : vector<1024x2048xf32> to vector<1024x128xf32>
    %reduce_max3A_130 = arith.constant dense<0xFF800000> : vector<1024xf32>
    %reduce_max3A_131 = vector.multi_reduction <maximumf>, %slice3A_129, %reduce_max3A_130 [1] : vector<1024x128xf32> to vector<1024xf32>
    %broadcast_in_dim3A_132 = vector.shape_cast %reduce_max3A_131 : vector<1024xf32> to vector<1024x1xf32>
    %slice3A_133 = vector.extract_strided_slice %select_n3A {offsets = [0, 1024], sizes = [1024, 128], strides = [1, 1]} : vector<1024x2048xf32> to vector<1024x128xf32>
    %reduce_max3A_134 = arith.constant dense<0xFF800000> : vector<1024xf32>
    %reduce_max3A_135 = vector.multi_reduction <maximumf>, %slice3A_133, %reduce_max3A_134 [1] : vector<1024x128xf32> to vector<1024xf32>
    %broadcast_in_dim3A_136 = vector.shape_cast %reduce_max3A_135 : vector<1024xf32> to vector<1024x1xf32>
    %slice3A_137 = vector.extract_strided_slice %select_n3A {offsets = [0, 1152], sizes = [1024, 128], strides = [1, 1]} : vector<1024x2048xf32> to vector<1024x128xf32>
    %reduce_max3A_138 = arith.constant dense<0xFF800000> : vector<1024xf32>
    %reduce_max3A_139 = vector.multi_reduction <maximumf>, %slice3A_137, %reduce_max3A_138 [1] : vector<1024x128xf32> to vector<1024xf32>
    %broadcast_in_dim3A_140 = vector.shape_cast %reduce_max3A_139 : vector<1024xf32> to vector<1024x1xf32>
    %slice3A_141 = vector.extract_strided_slice %select_n3A {offsets = [0, 1280], sizes = [1024, 128], strides = [1, 1]} : vector<1024x2048xf32> to vector<1024x128xf32>
    %reduce_max3A_142 = arith.constant dense<0xFF800000> : vector<1024xf32>
    %reduce_max3A_143 = vector.multi_reduction <maximumf>, %slice3A_141, %reduce_max3A_142 [1] : vector<1024x128xf32> to vector<1024xf32>
    %broadcast_in_dim3A_144 = vector.shape_cast %reduce_max3A_143 : vector<1024xf32> to vector<1024x1xf32>
    %slice3A_145 = vector.extract_strided_slice %select_n3A {offsets = [0, 1408], sizes = [1024, 128], strides = [1, 1]} : vector<1024x2048xf32> to vector<1024x128xf32>
    %reduce_max3A_146 = arith.constant dense<0xFF800000> : vector<1024xf32>
    %reduce_max3A_147 = vector.multi_reduction <maximumf>, %slice3A_145, %reduce_max3A_146 [1] : vector<1024x128xf32> to vector<1024xf32>
    %broadcast_in_dim3A_148 = vector.shape_cast %reduce_max3A_147 : vector<1024xf32> to vector<1024x1xf32>
    %slice3A_149 = vector.extract_strided_slice %select_n3A {offsets = [0, 1536], sizes = [1024, 128], strides = [1, 1]} : vector<1024x2048xf32> to vector<1024x128xf32>
    %reduce_max3A_150 = arith.constant dense<0xFF800000> : vector<1024xf32>
    %reduce_max3A_151 = vector.multi_reduction <maximumf>, %slice3A_149, %reduce_max3A_150 [1] : vector<1024x128xf32> to vector<1024xf32>
    %broadcast_in_dim3A_152 = vector.shape_cast %reduce_max3A_151 : vector<1024xf32> to vector<1024x1xf32>
    %slice3A_153 = vector.extract_strided_slice %select_n3A {offsets = [0, 1664], sizes = [1024, 128], strides = [1, 1]} : vector<1024x2048xf32> to vector<1024x128xf32>
    %reduce_max3A_154 = arith.constant dense<0xFF800000> : vector<1024xf32>
    %reduce_max3A_155 = vector.multi_reduction <maximumf>, %slice3A_153, %reduce_max3A_154 [1] : vector<1024x128xf32> to vector<1024xf32>
    %broadcast_in_dim3A_156 = vector.shape_cast %reduce_max3A_155 : vector<1024xf32> to vector<1024x1xf32>
    %slice3A_157 = vector.extract_strided_slice %select_n3A {offsets = [0, 1792], sizes = [1024, 128], strides = [1, 1]} : vector<1024x2048xf32> to vector<1024x128xf32>
    %reduce_max3A_158 = arith.constant dense<0xFF800000> : vector<1024xf32>
    %reduce_max3A_159 = vector.multi_reduction <maximumf>, %slice3A_157, %reduce_max3A_158 [1] : vector<1024x128xf32> to vector<1024xf32>
    %broadcast_in_dim3A_160 = vector.shape_cast %reduce_max3A_159 : vector<1024xf32> to vector<1024x1xf32>
    %slice3A_161 = vector.extract_strided_slice %select_n3A {offsets = [0, 1920], sizes = [1024, 128], strides = [1, 1]} : vector<1024x2048xf32> to vector<1024x128xf32>
    %reduce_max3A_162 = arith.constant dense<0xFF800000> : vector<1024xf32>
    %reduce_max3A_163 = vector.multi_reduction <maximumf>, %slice3A_161, %reduce_max3A_162 [1] : vector<1024x128xf32> to vector<1024xf32>
    %broadcast_in_dim3A_164 = vector.shape_cast %reduce_max3A_163 : vector<1024xf32> to vector<1024x1xf32>
    %broadcast_in_dim3A_165 = arith.constant -1.000000e+30 : f32
    %broadcast_in_dim3A_166 = vector.broadcast %broadcast_in_dim3A_165 : f32 to vector<1024x112xf32>
    %concatenate3A = tpu.concatenate %broadcast_in_dim3A_104, %broadcast_in_dim3A_108, %broadcast_in_dim3A_112, %broadcast_in_dim3A_116, %broadcast_in_dim3A_120, %broadcast_in_dim3A_124, %broadcast_in_dim3A_128, %broadcast_in_dim3A_132, %broadcast_in_dim3A_136, %broadcast_in_dim3A_140, %broadcast_in_dim3A_144, %broadcast_in_dim3A_148, %broadcast_in_dim3A_152, %broadcast_in_dim3A_156, %broadcast_in_dim3A_160, %broadcast_in_dim3A_164, %broadcast_in_dim3A_166 in 1 : vector<1024x1xf32>, vector<1024x1xf32>, vector<1024x1xf32>, vector<1024x1xf32>, vector<1024x1xf32>, vector<1024x1xf32>, vector<1024x1xf32>, vector<1024x1xf32>, vector<1024x1xf32>, vector<1024x1xf32>, vector<1024x1xf32>, vector<1024x1xf32>, vector<1024x1xf32>, vector<1024x1xf32>, vector<1024x1xf32>, vector<1024x1xf32>, vector<1024x112xf32> -> vector<1024x128xf32>
    %transpose3A = tpu.transpose %concatenate3A, [1, 0] : vector<1024x128xf32> -> vector<128x1024xf32>
    %slice3A_167 = vector.extract_strided_slice %transpose3A {offsets = [0, 0], sizes = [16, 1024], strides = [1, 1]} : vector<128x1024xf32> to vector<16x1024xf32>
    %swap3A_168 = arith.constant 0 : index
    %swap3A_169 = arith.constant 0 : index
    %swap3A_170 = vector.load %arg5[%swap3A_168, %swap3A_169] : memref<16x1024xf32, #tpu.memory_space<vmem>>, vector<16x1024xf32>
    tpu.vector_store %arg5[%swap3A_168, %swap3A_169], %slice3A_167 {strides = array<i32>} : memref<16x1024xf32, #tpu.memory_space<vmem>>, vector<16x1024xf32>,
    return
  }
  func.func @transform_0(%arg0: i32) -> (i32, i32) {
    %c0_i32 = arith.constant 0 : i32
    %c0_i32_0 = arith.constant 0 : i32
    %c0_i32_1 = arith.constant 0 : i32
    return %c0_i32, %c0_i32_0 : i32, i32
  }
  func.func @transform_1(%arg0: i32) -> (i32, i32) {
    %c0_i32 = arith.constant 0 : i32
    %c0_i32_0 = arith.constant 0 : i32
    return %arg0, %c0_i32 : i32, i32
  }
  func.func @transform_2(%arg0: i32) -> (i32, i32) {
    %c0_i32 = arith.constant 0 : i32
    %c0_i32_0 = arith.constant 0 : i32
    %c0_i32_1 = arith.constant 0 : i32
    return %c0_i32, %c0_i32_0 : i32, i32
  }
  func.func @transform_3(%arg0: i32) -> (i32, i32) {
    %c0_i32 = arith.constant 0 : i32
    %c0_i32_0 = arith.constant 0 : i32
    return %arg0, %c0_i32 : i32, i32
  }
  func.func @transform_4(%arg0: i32) -> (i32, i32) {
    %c0_i32 = arith.constant 0 : i32
    %c0_i32_0 = arith.constant 0 : i32
    return %arg0, %c0_i32 : i32, i32
  }
}

module attributes {stable_mosaic.version = 14 : i64} {
  func.func @_select_body(%arg0: memref<784x1024xf32, #tpu.memory_space<vmem>>, %arg1: memref<1024x12xi32, #tpu.memory_space<vmem>>) attributes {dimension_semantics = [], scalar_prefetch = 0 : i64, scratch_operands = 0 : i64, tpu.core_type = #tpu.core_type<tc>} {
    %get3A = arith.constant 0 : index
    %get3A_0 = arith.constant 0 : index
    %get3A_1 = vector.load %arg0[%get3A, %get3A_0] : memref<784x1024xf32, #tpu.memory_space<vmem>>, vector<784x1024xf32>
    %iota3A = tpu.iota {dimensions = array<i32: 0>} : vector<784x1024xi32>
    %reduce_max3A = arith.constant dense<0xFF800000> : vector<1024xf32>
    %reduce_max3A_2 = vector.multi_reduction <maximumf>, %get3A_1, %reduce_max3A [0] : vector<784x1024xf32> to vector<1024xf32>
    %broadcast_in_dim3A = vector.shape_cast %reduce_max3A_2 : vector<1024xf32> to vector<1x1024xf32>
    %eq3A = vector.broadcast %broadcast_in_dim3A : vector<1x1024xf32> to vector<784x1024xf32>
    %eq3A_3 = arith.cmpf oeq, %get3A_1, %eq3A : vector<784x1024xf32>
    %jit3A = arith.constant 784 : i32
    %broadcast_in_dim3A_4 = vector.broadcast %jit3A : i32 to vector<784x1024xi32>
    %select_n3A = arith.select %eq3A_3, %iota3A, %broadcast_in_dim3A_4 : vector<784x1024xi1>, vector<784x1024xi32>
    %reduce_min3A = arith.constant dense<2147483647> : vector<1024xi32>
    %reduce_min3A_5 = vector.multi_reduction <minsi>, %select_n3A, %reduce_min3A [0] : vector<784x1024xi32> to vector<1024xi32>
    %broadcast_in_dim3A_6 = vector.shape_cast %reduce_min3A_5 : vector<1024xi32> to vector<1x1024xi32>
    %eq3A_7 = vector.broadcast %broadcast_in_dim3A_6 : vector<1x1024xi32> to vector<784x1024xi32>
    %eq3A_8 = arith.cmpi eq, %iota3A, %eq3A_7 : vector<784x1024xi32>
    %jit3A_9 = arith.constant -1.000000e+30 : f32
    %broadcast_in_dim3A_10 = vector.broadcast %jit3A_9 : f32 to vector<784x1024xf32>
    %select_n3A_11 = arith.select %eq3A_8, %broadcast_in_dim3A_10, %get3A_1 : vector<784x1024xi1>, vector<784x1024xf32>
    %reduce_max3A_12 = arith.constant dense<0xFF800000> : vector<1024xf32>
    %reduce_max3A_13 = vector.multi_reduction <maximumf>, %select_n3A_11, %reduce_max3A_12 [0] : vector<784x1024xf32> to vector<1024xf32>
    %broadcast_in_dim3A_14 = vector.shape_cast %reduce_max3A_13 : vector<1024xf32> to vector<1x1024xf32>
    %eq3A_15 = vector.broadcast %broadcast_in_dim3A_14 : vector<1x1024xf32> to vector<784x1024xf32>
    %eq3A_16 = arith.cmpf oeq, %select_n3A_11, %eq3A_15 : vector<784x1024xf32>
    %jit3A_17 = arith.constant 784 : i32
    %broadcast_in_dim3A_18 = vector.broadcast %jit3A_17 : i32 to vector<784x1024xi32>
    %select_n3A_19 = arith.select %eq3A_16, %iota3A, %broadcast_in_dim3A_18 : vector<784x1024xi1>, vector<784x1024xi32>
    %reduce_min3A_20 = arith.constant dense<2147483647> : vector<1024xi32>
    %reduce_min3A_21 = vector.multi_reduction <minsi>, %select_n3A_19, %reduce_min3A_20 [0] : vector<784x1024xi32> to vector<1024xi32>
    %broadcast_in_dim3A_22 = vector.shape_cast %reduce_min3A_21 : vector<1024xi32> to vector<1x1024xi32>
    %eq3A_23 = vector.broadcast %broadcast_in_dim3A_22 : vector<1x1024xi32> to vector<784x1024xi32>
    %eq3A_24 = arith.cmpi eq, %iota3A, %eq3A_23 : vector<784x1024xi32>
    %jit3A_25 = arith.constant -1.000000e+30 : f32
    %broadcast_in_dim3A_26 = vector.broadcast %jit3A_25 : f32 to vector<784x1024xf32>
    %select_n3A_27 = arith.select %eq3A_24, %broadcast_in_dim3A_26, %select_n3A_11 : vector<784x1024xi1>, vector<784x1024xf32>
    %reduce_max3A_28 = arith.constant dense<0xFF800000> : vector<1024xf32>
    %reduce_max3A_29 = vector.multi_reduction <maximumf>, %select_n3A_27, %reduce_max3A_28 [0] : vector<784x1024xf32> to vector<1024xf32>
    %broadcast_in_dim3A_30 = vector.shape_cast %reduce_max3A_29 : vector<1024xf32> to vector<1x1024xf32>
    %eq3A_31 = vector.broadcast %broadcast_in_dim3A_30 : vector<1x1024xf32> to vector<784x1024xf32>
    %eq3A_32 = arith.cmpf oeq, %select_n3A_27, %eq3A_31 : vector<784x1024xf32>
    %jit3A_33 = arith.constant 784 : i32
    %broadcast_in_dim3A_34 = vector.broadcast %jit3A_33 : i32 to vector<784x1024xi32>
    %select_n3A_35 = arith.select %eq3A_32, %iota3A, %broadcast_in_dim3A_34 : vector<784x1024xi1>, vector<784x1024xi32>
    %reduce_min3A_36 = arith.constant dense<2147483647> : vector<1024xi32>
    %reduce_min3A_37 = vector.multi_reduction <minsi>, %select_n3A_35, %reduce_min3A_36 [0] : vector<784x1024xi32> to vector<1024xi32>
    %broadcast_in_dim3A_38 = vector.shape_cast %reduce_min3A_37 : vector<1024xi32> to vector<1x1024xi32>
    %eq3A_39 = vector.broadcast %broadcast_in_dim3A_38 : vector<1x1024xi32> to vector<784x1024xi32>
    %eq3A_40 = arith.cmpi eq, %iota3A, %eq3A_39 : vector<784x1024xi32>
    %jit3A_41 = arith.constant -1.000000e+30 : f32
    %broadcast_in_dim3A_42 = vector.broadcast %jit3A_41 : f32 to vector<784x1024xf32>
    %select_n3A_43 = arith.select %eq3A_40, %broadcast_in_dim3A_42, %select_n3A_27 : vector<784x1024xi1>, vector<784x1024xf32>
    %reduce_max3A_44 = arith.constant dense<0xFF800000> : vector<1024xf32>
    %reduce_max3A_45 = vector.multi_reduction <maximumf>, %select_n3A_43, %reduce_max3A_44 [0] : vector<784x1024xf32> to vector<1024xf32>
    %broadcast_in_dim3A_46 = vector.shape_cast %reduce_max3A_45 : vector<1024xf32> to vector<1x1024xf32>
    %eq3A_47 = vector.broadcast %broadcast_in_dim3A_46 : vector<1x1024xf32> to vector<784x1024xf32>
    %eq3A_48 = arith.cmpf oeq, %select_n3A_43, %eq3A_47 : vector<784x1024xf32>
    %jit3A_49 = arith.constant 784 : i32
    %broadcast_in_dim3A_50 = vector.broadcast %jit3A_49 : i32 to vector<784x1024xi32>
    %select_n3A_51 = arith.select %eq3A_48, %iota3A, %broadcast_in_dim3A_50 : vector<784x1024xi1>, vector<784x1024xi32>
    %reduce_min3A_52 = arith.constant dense<2147483647> : vector<1024xi32>
    %reduce_min3A_53 = vector.multi_reduction <minsi>, %select_n3A_51, %reduce_min3A_52 [0] : vector<784x1024xi32> to vector<1024xi32>
    %broadcast_in_dim3A_54 = vector.shape_cast %reduce_min3A_53 : vector<1024xi32> to vector<1x1024xi32>
    %eq3A_55 = vector.broadcast %broadcast_in_dim3A_54 : vector<1x1024xi32> to vector<784x1024xi32>
    %eq3A_56 = arith.cmpi eq, %iota3A, %eq3A_55 : vector<784x1024xi32>
    %jit3A_57 = arith.constant -1.000000e+30 : f32
    %broadcast_in_dim3A_58 = vector.broadcast %jit3A_57 : f32 to vector<784x1024xf32>
    %select_n3A_59 = arith.select %eq3A_56, %broadcast_in_dim3A_58, %select_n3A_43 : vector<784x1024xi1>, vector<784x1024xf32>
    %reduce_max3A_60 = arith.constant dense<0xFF800000> : vector<1024xf32>
    %reduce_max3A_61 = vector.multi_reduction <maximumf>, %select_n3A_59, %reduce_max3A_60 [0] : vector<784x1024xf32> to vector<1024xf32>
    %broadcast_in_dim3A_62 = vector.shape_cast %reduce_max3A_61 : vector<1024xf32> to vector<1x1024xf32>
    %eq3A_63 = vector.broadcast %broadcast_in_dim3A_62 : vector<1x1024xf32> to vector<784x1024xf32>
    %eq3A_64 = arith.cmpf oeq, %select_n3A_59, %eq3A_63 : vector<784x1024xf32>
    %jit3A_65 = arith.constant 784 : i32
    %broadcast_in_dim3A_66 = vector.broadcast %jit3A_65 : i32 to vector<784x1024xi32>
    %select_n3A_67 = arith.select %eq3A_64, %iota3A, %broadcast_in_dim3A_66 : vector<784x1024xi1>, vector<784x1024xi32>
    %reduce_min3A_68 = arith.constant dense<2147483647> : vector<1024xi32>
    %reduce_min3A_69 = vector.multi_reduction <minsi>, %select_n3A_67, %reduce_min3A_68 [0] : vector<784x1024xi32> to vector<1024xi32>
    %broadcast_in_dim3A_70 = vector.shape_cast %reduce_min3A_69 : vector<1024xi32> to vector<1x1024xi32>
    %eq3A_71 = vector.broadcast %broadcast_in_dim3A_70 : vector<1x1024xi32> to vector<784x1024xi32>
    %eq3A_72 = arith.cmpi eq, %iota3A, %eq3A_71 : vector<784x1024xi32>
    %jit3A_73 = arith.constant -1.000000e+30 : f32
    %broadcast_in_dim3A_74 = vector.broadcast %jit3A_73 : f32 to vector<784x1024xf32>
    %select_n3A_75 = arith.select %eq3A_72, %broadcast_in_dim3A_74, %select_n3A_59 : vector<784x1024xi1>, vector<784x1024xf32>
    %reduce_max3A_76 = arith.constant dense<0xFF800000> : vector<1024xf32>
    %reduce_max3A_77 = vector.multi_reduction <maximumf>, %select_n3A_75, %reduce_max3A_76 [0] : vector<784x1024xf32> to vector<1024xf32>
    %broadcast_in_dim3A_78 = vector.shape_cast %reduce_max3A_77 : vector<1024xf32> to vector<1x1024xf32>
    %eq3A_79 = vector.broadcast %broadcast_in_dim3A_78 : vector<1x1024xf32> to vector<784x1024xf32>
    %eq3A_80 = arith.cmpf oeq, %select_n3A_75, %eq3A_79 : vector<784x1024xf32>
    %jit3A_81 = arith.constant 784 : i32
    %broadcast_in_dim3A_82 = vector.broadcast %jit3A_81 : i32 to vector<784x1024xi32>
    %select_n3A_83 = arith.select %eq3A_80, %iota3A, %broadcast_in_dim3A_82 : vector<784x1024xi1>, vector<784x1024xi32>
    %reduce_min3A_84 = arith.constant dense<2147483647> : vector<1024xi32>
    %reduce_min3A_85 = vector.multi_reduction <minsi>, %select_n3A_83, %reduce_min3A_84 [0] : vector<784x1024xi32> to vector<1024xi32>
    %broadcast_in_dim3A_86 = vector.shape_cast %reduce_min3A_85 : vector<1024xi32> to vector<1x1024xi32>
    %eq3A_87 = vector.broadcast %broadcast_in_dim3A_86 : vector<1x1024xi32> to vector<784x1024xi32>
    %eq3A_88 = arith.cmpi eq, %iota3A, %eq3A_87 : vector<784x1024xi32>
    %jit3A_89 = arith.constant -1.000000e+30 : f32
    %broadcast_in_dim3A_90 = vector.broadcast %jit3A_89 : f32 to vector<784x1024xf32>
    %select_n3A_91 = arith.select %eq3A_88, %broadcast_in_dim3A_90, %select_n3A_75 : vector<784x1024xi1>, vector<784x1024xf32>
    %reduce_max3A_92 = arith.constant dense<0xFF800000> : vector<1024xf32>
    %reduce_max3A_93 = vector.multi_reduction <maximumf>, %select_n3A_91, %reduce_max3A_92 [0] : vector<784x1024xf32> to vector<1024xf32>
    %broadcast_in_dim3A_94 = vector.shape_cast %reduce_max3A_93 : vector<1024xf32> to vector<1x1024xf32>
    %eq3A_95 = vector.broadcast %broadcast_in_dim3A_94 : vector<1x1024xf32> to vector<784x1024xf32>
    %eq3A_96 = arith.cmpf oeq, %select_n3A_91, %eq3A_95 : vector<784x1024xf32>
    %jit3A_97 = arith.constant 784 : i32
    %broadcast_in_dim3A_98 = vector.broadcast %jit3A_97 : i32 to vector<784x1024xi32>
    %select_n3A_99 = arith.select %eq3A_96, %iota3A, %broadcast_in_dim3A_98 : vector<784x1024xi1>, vector<784x1024xi32>
    %reduce_min3A_100 = arith.constant dense<2147483647> : vector<1024xi32>
    %reduce_min3A_101 = vector.multi_reduction <minsi>, %select_n3A_99, %reduce_min3A_100 [0] : vector<784x1024xi32> to vector<1024xi32>
    %broadcast_in_dim3A_102 = vector.shape_cast %reduce_min3A_101 : vector<1024xi32> to vector<1x1024xi32>
    %eq3A_103 = vector.broadcast %broadcast_in_dim3A_102 : vector<1x1024xi32> to vector<784x1024xi32>
    %eq3A_104 = arith.cmpi eq, %iota3A, %eq3A_103 : vector<784x1024xi32>
    %jit3A_105 = arith.constant -1.000000e+30 : f32
    %broadcast_in_dim3A_106 = vector.broadcast %jit3A_105 : f32 to vector<784x1024xf32>
    %select_n3A_107 = arith.select %eq3A_104, %broadcast_in_dim3A_106, %select_n3A_91 : vector<784x1024xi1>, vector<784x1024xf32>
    %reduce_max3A_108 = arith.constant dense<0xFF800000> : vector<1024xf32>
    %reduce_max3A_109 = vector.multi_reduction <maximumf>, %select_n3A_107, %reduce_max3A_108 [0] : vector<784x1024xf32> to vector<1024xf32>
    %broadcast_in_dim3A_110 = vector.shape_cast %reduce_max3A_109 : vector<1024xf32> to vector<1x1024xf32>
    %eq3A_111 = vector.broadcast %broadcast_in_dim3A_110 : vector<1x1024xf32> to vector<784x1024xf32>
    %eq3A_112 = arith.cmpf oeq, %select_n3A_107, %eq3A_111 : vector<784x1024xf32>
    %jit3A_113 = arith.constant 784 : i32
    %broadcast_in_dim3A_114 = vector.broadcast %jit3A_113 : i32 to vector<784x1024xi32>
    %select_n3A_115 = arith.select %eq3A_112, %iota3A, %broadcast_in_dim3A_114 : vector<784x1024xi1>, vector<784x1024xi32>
    %reduce_min3A_116 = arith.constant dense<2147483647> : vector<1024xi32>
    %reduce_min3A_117 = vector.multi_reduction <minsi>, %select_n3A_115, %reduce_min3A_116 [0] : vector<784x1024xi32> to vector<1024xi32>
    %broadcast_in_dim3A_118 = vector.shape_cast %reduce_min3A_117 : vector<1024xi32> to vector<1x1024xi32>
    %eq3A_119 = vector.broadcast %broadcast_in_dim3A_118 : vector<1x1024xi32> to vector<784x1024xi32>
    %eq3A_120 = arith.cmpi eq, %iota3A, %eq3A_119 : vector<784x1024xi32>
    %jit3A_121 = arith.constant -1.000000e+30 : f32
    %broadcast_in_dim3A_122 = vector.broadcast %jit3A_121 : f32 to vector<784x1024xf32>
    %select_n3A_123 = arith.select %eq3A_120, %broadcast_in_dim3A_122, %select_n3A_107 : vector<784x1024xi1>, vector<784x1024xf32>
    %reduce_max3A_124 = arith.constant dense<0xFF800000> : vector<1024xf32>
    %reduce_max3A_125 = vector.multi_reduction <maximumf>, %select_n3A_123, %reduce_max3A_124 [0] : vector<784x1024xf32> to vector<1024xf32>
    %broadcast_in_dim3A_126 = vector.shape_cast %reduce_max3A_125 : vector<1024xf32> to vector<1x1024xf32>
    %eq3A_127 = vector.broadcast %broadcast_in_dim3A_126 : vector<1x1024xf32> to vector<784x1024xf32>
    %eq3A_128 = arith.cmpf oeq, %select_n3A_123, %eq3A_127 : vector<784x1024xf32>
    %jit3A_129 = arith.constant 784 : i32
    %broadcast_in_dim3A_130 = vector.broadcast %jit3A_129 : i32 to vector<784x1024xi32>
    %select_n3A_131 = arith.select %eq3A_128, %iota3A, %broadcast_in_dim3A_130 : vector<784x1024xi1>, vector<784x1024xi32>
    %reduce_min3A_132 = arith.constant dense<2147483647> : vector<1024xi32>
    %reduce_min3A_133 = vector.multi_reduction <minsi>, %select_n3A_131, %reduce_min3A_132 [0] : vector<784x1024xi32> to vector<1024xi32>
    %broadcast_in_dim3A_134 = vector.shape_cast %reduce_min3A_133 : vector<1024xi32> to vector<1x1024xi32>
    %eq3A_135 = vector.broadcast %broadcast_in_dim3A_134 : vector<1x1024xi32> to vector<784x1024xi32>
    %eq3A_136 = arith.cmpi eq, %iota3A, %eq3A_135 : vector<784x1024xi32>
    %jit3A_137 = arith.constant -1.000000e+30 : f32
    %broadcast_in_dim3A_138 = vector.broadcast %jit3A_137 : f32 to vector<784x1024xf32>
    %select_n3A_139 = arith.select %eq3A_136, %broadcast_in_dim3A_138, %select_n3A_123 : vector<784x1024xi1>, vector<784x1024xf32>
    %reduce_max3A_140 = arith.constant dense<0xFF800000> : vector<1024xf32>
    %reduce_max3A_141 = vector.multi_reduction <maximumf>, %select_n3A_139, %reduce_max3A_140 [0] : vector<784x1024xf32> to vector<1024xf32>
    %broadcast_in_dim3A_142 = vector.shape_cast %reduce_max3A_141 : vector<1024xf32> to vector<1x1024xf32>
    %eq3A_143 = vector.broadcast %broadcast_in_dim3A_142 : vector<1x1024xf32> to vector<784x1024xf32>
    %eq3A_144 = arith.cmpf oeq, %select_n3A_139, %eq3A_143 : vector<784x1024xf32>
    %jit3A_145 = arith.constant 784 : i32
    %broadcast_in_dim3A_146 = vector.broadcast %jit3A_145 : i32 to vector<784x1024xi32>
    %select_n3A_147 = arith.select %eq3A_144, %iota3A, %broadcast_in_dim3A_146 : vector<784x1024xi1>, vector<784x1024xi32>
    %reduce_min3A_148 = arith.constant dense<2147483647> : vector<1024xi32>
    %reduce_min3A_149 = vector.multi_reduction <minsi>, %select_n3A_147, %reduce_min3A_148 [0] : vector<784x1024xi32> to vector<1024xi32>
    %broadcast_in_dim3A_150 = vector.shape_cast %reduce_min3A_149 : vector<1024xi32> to vector<1x1024xi32>
    %eq3A_151 = vector.broadcast %broadcast_in_dim3A_150 : vector<1x1024xi32> to vector<784x1024xi32>
    %eq3A_152 = arith.cmpi eq, %iota3A, %eq3A_151 : vector<784x1024xi32>
    %jit3A_153 = arith.constant -1.000000e+30 : f32
    %broadcast_in_dim3A_154 = vector.broadcast %jit3A_153 : f32 to vector<784x1024xf32>
    %select_n3A_155 = arith.select %eq3A_152, %broadcast_in_dim3A_154, %select_n3A_139 : vector<784x1024xi1>, vector<784x1024xf32>
    %reduce_max3A_156 = arith.constant dense<0xFF800000> : vector<1024xf32>
    %reduce_max3A_157 = vector.multi_reduction <maximumf>, %select_n3A_155, %reduce_max3A_156 [0] : vector<784x1024xf32> to vector<1024xf32>
    %broadcast_in_dim3A_158 = vector.shape_cast %reduce_max3A_157 : vector<1024xf32> to vector<1x1024xf32>
    %eq3A_159 = vector.broadcast %broadcast_in_dim3A_158 : vector<1x1024xf32> to vector<784x1024xf32>
    %eq3A_160 = arith.cmpf oeq, %select_n3A_155, %eq3A_159 : vector<784x1024xf32>
    %jit3A_161 = arith.constant 784 : i32
    %broadcast_in_dim3A_162 = vector.broadcast %jit3A_161 : i32 to vector<784x1024xi32>
    %select_n3A_163 = arith.select %eq3A_160, %iota3A, %broadcast_in_dim3A_162 : vector<784x1024xi1>, vector<784x1024xi32>
    %reduce_min3A_164 = arith.constant dense<2147483647> : vector<1024xi32>
    %reduce_min3A_165 = vector.multi_reduction <minsi>, %select_n3A_163, %reduce_min3A_164 [0] : vector<784x1024xi32> to vector<1024xi32>
    %broadcast_in_dim3A_166 = vector.shape_cast %reduce_min3A_165 : vector<1024xi32> to vector<1x1024xi32>
    %eq3A_167 = vector.broadcast %broadcast_in_dim3A_166 : vector<1x1024xi32> to vector<784x1024xi32>
    %eq3A_168 = arith.cmpi eq, %iota3A, %eq3A_167 : vector<784x1024xi32>
    %jit3A_169 = arith.constant -1.000000e+30 : f32
    %broadcast_in_dim3A_170 = vector.broadcast %jit3A_169 : f32 to vector<784x1024xf32>
    %select_n3A_171 = arith.select %eq3A_168, %broadcast_in_dim3A_170, %select_n3A_155 : vector<784x1024xi1>, vector<784x1024xf32>
    %reduce_max3A_172 = arith.constant dense<0xFF800000> : vector<1024xf32>
    %reduce_max3A_173 = vector.multi_reduction <maximumf>, %select_n3A_171, %reduce_max3A_172 [0] : vector<784x1024xf32> to vector<1024xf32>
    %broadcast_in_dim3A_174 = vector.shape_cast %reduce_max3A_173 : vector<1024xf32> to vector<1x1024xf32>
    %eq3A_175 = vector.broadcast %broadcast_in_dim3A_174 : vector<1x1024xf32> to vector<784x1024xf32>
    %eq3A_176 = arith.cmpf oeq, %select_n3A_171, %eq3A_175 : vector<784x1024xf32>
    %jit3A_177 = arith.constant 784 : i32
    %broadcast_in_dim3A_178 = vector.broadcast %jit3A_177 : i32 to vector<784x1024xi32>
    %select_n3A_179 = arith.select %eq3A_176, %iota3A, %broadcast_in_dim3A_178 : vector<784x1024xi1>, vector<784x1024xi32>
    %reduce_min3A_180 = arith.constant dense<2147483647> : vector<1024xi32>
    %reduce_min3A_181 = vector.multi_reduction <minsi>, %select_n3A_179, %reduce_min3A_180 [0] : vector<784x1024xi32> to vector<1024xi32>
    %broadcast_in_dim3A_182 = vector.shape_cast %reduce_min3A_181 : vector<1024xi32> to vector<1x1024xi32>
    %broadcast_in_dim3A_183 = arith.constant 0 : i32
    %broadcast_in_dim3A_184 = vector.broadcast %broadcast_in_dim3A_183 : i32 to vector<116x1024xi32>
    %concatenate3A = tpu.concatenate %broadcast_in_dim3A_6, %broadcast_in_dim3A_22, %broadcast_in_dim3A_38, %broadcast_in_dim3A_54, %broadcast_in_dim3A_70, %broadcast_in_dim3A_86, %broadcast_in_dim3A_102, %broadcast_in_dim3A_118, %broadcast_in_dim3A_134, %broadcast_in_dim3A_150, %broadcast_in_dim3A_166, %broadcast_in_dim3A_182, %broadcast_in_dim3A_184 in 0 : vector<1x1024xi32>, vector<1x1024xi32>, vector<1x1024xi32>, vector<1x1024xi32>, vector<1x1024xi32>, vector<1x1024xi32>, vector<1x1024xi32>, vector<1x1024xi32>, vector<1x1024xi32>, vector<1x1024xi32>, vector<1x1024xi32>, vector<1x1024xi32>, vector<116x1024xi32> -> vector<128x1024xi32>
    %transpose3A = tpu.transpose %concatenate3A, [1, 0] : vector<128x1024xi32> -> vector<1024x128xi32>
    %slice3A = vector.extract_strided_slice %transpose3A {offsets = [0, 0], sizes = [1024, 12], strides = [1, 1]} : vector<1024x128xi32> to vector<1024x12xi32>
    %iota3A_185 = tpu.iota {dimensions = array<i32: 0>} : vector<1024x12xi32>
    %mul3A = arith.constant 1024 : i32
    %mul3A_186 = vector.broadcast %mul3A : i32 to vector<1024x12xi32>
    %mul3A_187 = arith.muli %slice3A, %mul3A_186 : vector<1024x12xi32>
    %add3A = arith.addi %mul3A_187, %iota3A_185 : vector<1024x12xi32>
    %swap3A = arith.constant 0 : index
    %swap3A_188 = arith.constant 0 : index
    %swap3A_189 = vector.load %arg1[%swap3A, %swap3A_188] : memref<1024x12xi32, #tpu.memory_space<vmem>>, vector<1024x12xi32>
    tpu.vector_store %arg1[%swap3A, %swap3A_188], %add3A {strides = array<i32>} : memref<1024x12xi32, #tpu.memory_space<vmem>>, vector<1024x12xi32>,
    return
  }
}

module attributes {stable_mosaic.version = 14 : i64} {
  func.func @_final_body(%arg0: memref<1024x1536xf32, #tpu.memory_space<vmem>>, %arg1: memref<1024x12xi32, #tpu.memory_space<vmem>>, %arg2: memref<1024x12xi32, #tpu.memory_space<vmem>>) attributes {dimension_semantics = [], scalar_prefetch = 0 : i64, scratch_operands = 0 : i64, tpu.core_type = #tpu.core_type<tc>} {
    %get3A = arith.constant 0 : index
    %get3A_0 = arith.constant 0 : index
    %get3A_1 = vector.load %arg0[%get3A, %get3A_0] : memref<1024x1536xf32, #tpu.memory_space<vmem>>, vector<1024x1536xf32>
    %get3A_2 = arith.constant 0 : index
    %get3A_3 = arith.constant 0 : index
    %get3A_4 = vector.load %arg1[%get3A_2, %get3A_3] : memref<1024x12xi32, #tpu.memory_space<vmem>>, vector<1024x12xi32>
    %jit3A = arith.constant 1024 : i32
    %div3A = vector.broadcast %jit3A : i32 to vector<1024x12xi32>
    %div3A_5 = arith.divsi %get3A_4, %div3A : vector<1024x12xi32>
    %sign3A = arith.constant 0 : i32
    %sign3A_6 = vector.broadcast %sign3A : i32 to vector<1024x12xi32>
    %sign3A_7 = arith.cmpi sgt, %get3A_4, %sign3A_6 : vector<1024x12xi32>
    %sign3A_8 = arith.extui %sign3A_7 : vector<1024x12xi1> to vector<1024x12xi32>
    %sign3A_9 = arith.constant 0 : i32
    %sign3A_10 = vector.broadcast %sign3A_9 : i32 to vector<1024x12xi32>
    %sign3A_11 = arith.cmpi slt, %get3A_4, %sign3A_10 : vector<1024x12xi32>
    %sign3A_12 = arith.extui %sign3A_11 : vector<1024x12xi1> to vector<1024x12xi32>
    %sign3A_13 = arith.subi %sign3A_8, %sign3A_12 : vector<1024x12xi32>
    %sign3A_14 = arith.constant 0 : i32
    %sign3A_15 = arith.cmpi sgt, %jit3A, %sign3A_14 : i32
    %sign3A_16 = arith.extui %sign3A_15 : i1 to i32
    %sign3A_17 = arith.constant 0 : i32
    %sign3A_18 = arith.cmpi slt, %jit3A, %sign3A_17 : i32
    %sign3A_19 = arith.extui %sign3A_18 : i1 to i32
    %sign3A_20 = arith.subi %sign3A_16, %sign3A_19 : i32
    %ne3A = vector.broadcast %sign3A_20 : i32 to vector<1024x12xi32>
    %ne3A_21 = arith.cmpi ne, %sign3A_13, %ne3A : vector<1024x12xi32>
    %rem3A = vector.broadcast %jit3A : i32 to vector<1024x12xi32>
    %rem3A_22 = arith.remsi %get3A_4, %rem3A : vector<1024x12xi32>
    %ne3A_23 = arith.constant 0 : i32
    %ne3A_24 = vector.broadcast %ne3A_23 : i32 to vector<1024x12xi32>
    %ne3A_25 = arith.cmpi ne, %rem3A_22, %ne3A_24 : vector<1024x12xi32>
    %and3A = arith.andi %ne3A_21, %ne3A_25 : vector<1024x12xi1>
    %sub3A = arith.constant 1 : i32
    %sub3A_26 = vector.broadcast %sub3A : i32 to vector<1024x12xi32>
    %sub3A_27 = arith.subi %div3A_5, %sub3A_26 : vector<1024x12xi32>
    %select_n3A = arith.select %and3A, %sub3A_27, %div3A_5 : vector<1024x12xi1>, vector<1024x12xi32>
    %slice3A = vector.extract_strided_slice %select_n3A {offsets = [0, 0], sizes = [1024, 1], strides = [1, 1]} : vector<1024x12xi32> to vector<1024x1xi32>
    %broadcast_in_dim3A = vector.shape_cast %slice3A : vector<1024x1xi32> to vector<1024x1xi32>
    %broadcast_in_dim3A_28 = vector.broadcast %broadcast_in_dim3A : vector<1024x1xi32> to vector<1024x128xi32>
    %slice3A_29 = vector.extract_strided_slice %select_n3A {offsets = [0, 1], sizes = [1024, 1], strides = [1, 1]} : vector<1024x12xi32> to vector<1024x1xi32>
    %broadcast_in_dim3A_30 = vector.shape_cast %slice3A_29 : vector<1024x1xi32> to vector<1024x1xi32>
    %broadcast_in_dim3A_31 = vector.broadcast %broadcast_in_dim3A_30 : vector<1024x1xi32> to vector<1024x128xi32>
    %slice3A_32 = vector.extract_strided_slice %select_n3A {offsets = [0, 2], sizes = [1024, 1], strides = [1, 1]} : vector<1024x12xi32> to vector<1024x1xi32>
    %broadcast_in_dim3A_33 = vector.shape_cast %slice3A_32 : vector<1024x1xi32> to vector<1024x1xi32>
    %broadcast_in_dim3A_34 = vector.broadcast %broadcast_in_dim3A_33 : vector<1024x1xi32> to vector<1024x128xi32>
    %slice3A_35 = vector.extract_strided_slice %select_n3A {offsets = [0, 3], sizes = [1024, 1], strides = [1, 1]} : vector<1024x12xi32> to vector<1024x1xi32>
    %broadcast_in_dim3A_36 = vector.shape_cast %slice3A_35 : vector<1024x1xi32> to vector<1024x1xi32>
    %broadcast_in_dim3A_37 = vector.broadcast %broadcast_in_dim3A_36 : vector<1024x1xi32> to vector<1024x128xi32>
    %slice3A_38 = vector.extract_strided_slice %select_n3A {offsets = [0, 4], sizes = [1024, 1], strides = [1, 1]} : vector<1024x12xi32> to vector<1024x1xi32>
    %broadcast_in_dim3A_39 = vector.shape_cast %slice3A_38 : vector<1024x1xi32> to vector<1024x1xi32>
    %broadcast_in_dim3A_40 = vector.broadcast %broadcast_in_dim3A_39 : vector<1024x1xi32> to vector<1024x128xi32>
    %slice3A_41 = vector.extract_strided_slice %select_n3A {offsets = [0, 5], sizes = [1024, 1], strides = [1, 1]} : vector<1024x12xi32> to vector<1024x1xi32>
    %broadcast_in_dim3A_42 = vector.shape_cast %slice3A_41 : vector<1024x1xi32> to vector<1024x1xi32>
    %broadcast_in_dim3A_43 = vector.broadcast %broadcast_in_dim3A_42 : vector<1024x1xi32> to vector<1024x128xi32>
    %slice3A_44 = vector.extract_strided_slice %select_n3A {offsets = [0, 6], sizes = [1024, 1], strides = [1, 1]} : vector<1024x12xi32> to vector<1024x1xi32>
    %broadcast_in_dim3A_45 = vector.shape_cast %slice3A_44 : vector<1024x1xi32> to vector<1024x1xi32>
    %broadcast_in_dim3A_46 = vector.broadcast %broadcast_in_dim3A_45 : vector<1024x1xi32> to vector<1024x128xi32>
    %slice3A_47 = vector.extract_strided_slice %select_n3A {offsets = [0, 7], sizes = [1024, 1], strides = [1, 1]} : vector<1024x12xi32> to vector<1024x1xi32>
    %broadcast_in_dim3A_48 = vector.shape_cast %slice3A_47 : vector<1024x1xi32> to vector<1024x1xi32>
    %broadcast_in_dim3A_49 = vector.broadcast %broadcast_in_dim3A_48 : vector<1024x1xi32> to vector<1024x128xi32>
    %slice3A_50 = vector.extract_strided_slice %select_n3A {offsets = [0, 8], sizes = [1024, 1], strides = [1, 1]} : vector<1024x12xi32> to vector<1024x1xi32>
    %broadcast_in_dim3A_51 = vector.shape_cast %slice3A_50 : vector<1024x1xi32> to vector<1024x1xi32>
    %broadcast_in_dim3A_52 = vector.broadcast %broadcast_in_dim3A_51 : vector<1024x1xi32> to vector<1024x128xi32>
    %slice3A_53 = vector.extract_strided_slice %select_n3A {offsets = [0, 9], sizes = [1024, 1], strides = [1, 1]} : vector<1024x12xi32> to vector<1024x1xi32>
    %broadcast_in_dim3A_54 = vector.shape_cast %slice3A_53 : vector<1024x1xi32> to vector<1024x1xi32>
    %broadcast_in_dim3A_55 = vector.broadcast %broadcast_in_dim3A_54 : vector<1024x1xi32> to vector<1024x128xi32>
    %slice3A_56 = vector.extract_strided_slice %select_n3A {offsets = [0, 10], sizes = [1024, 1], strides = [1, 1]} : vector<1024x12xi32> to vector<1024x1xi32>
    %broadcast_in_dim3A_57 = vector.shape_cast %slice3A_56 : vector<1024x1xi32> to vector<1024x1xi32>
    %broadcast_in_dim3A_58 = vector.broadcast %broadcast_in_dim3A_57 : vector<1024x1xi32> to vector<1024x128xi32>
    %slice3A_59 = vector.extract_strided_slice %select_n3A {offsets = [0, 11], sizes = [1024, 1], strides = [1, 1]} : vector<1024x12xi32> to vector<1024x1xi32>
    %broadcast_in_dim3A_60 = vector.shape_cast %slice3A_59 : vector<1024x1xi32> to vector<1024x1xi32>
    %broadcast_in_dim3A_61 = vector.broadcast %broadcast_in_dim3A_60 : vector<1024x1xi32> to vector<1024x128xi32>
    %concatenate3A = tpu.concatenate %broadcast_in_dim3A_28, %broadcast_in_dim3A_31, %broadcast_in_dim3A_34, %broadcast_in_dim3A_37, %broadcast_in_dim3A_40, %broadcast_in_dim3A_43, %broadcast_in_dim3A_46, %broadcast_in_dim3A_49, %broadcast_in_dim3A_52, %broadcast_in_dim3A_55, %broadcast_in_dim3A_58, %broadcast_in_dim3A_61 in 1 : vector<1024x128xi32>, vector<1024x128xi32>, vector<1024x128xi32>, vector<1024x128xi32>, vector<1024x128xi32>, vector<1024x128xi32>, vector<1024x128xi32>, vector<1024x128xi32>, vector<1024x128xi32>, vector<1024x128xi32>, vector<1024x128xi32>, vector<1024x128xi32> -> vector<1024x1536xi32>
    %iota3A = tpu.iota {dimensions = array<i32: 1>} : vector<1024x1536xi32>
    %jit3A_62 = arith.constant 128 : i32
    %eq3A = arith.constant 0 : i32
    %eq3A_63 = arith.cmpi eq, %jit3A_62, %eq3A : i32
    %jit3A_64 = arith.constant 1 : i32
    %select_n3A_65 = arith.select %eq3A_63, %jit3A_64, %jit3A_62 : i32
    %rem3A_66 = vector.broadcast %select_n3A_65 : i32 to vector<1024x1536xi32>
    %rem3A_67 = arith.remsi %iota3A, %rem3A_66 : vector<1024x1536xi32>
    %ne3A_68 = arith.constant 0 : i32
    %ne3A_69 = vector.broadcast %ne3A_68 : i32 to vector<1024x1536xi32>
    %ne3A_70 = arith.cmpi ne, %rem3A_67, %ne3A_69 : vector<1024x1536xi32>
    %lt3A = arith.constant 0 : i32
    %lt3A_71 = vector.broadcast %lt3A : i32 to vector<1024x1536xi32>
    %lt3A_72 = arith.cmpi slt, %rem3A_67, %lt3A_71 : vector<1024x1536xi32>
    %lt3A_73 = arith.constant 0 : i32
    %lt3A_74 = arith.cmpi slt, %select_n3A_65, %lt3A_73 : i32
    %ne3A_75 = vector.broadcast %lt3A_74 : i1 to vector<1024x1536xi1>
    %ne3A_76 = vector.broadcast %ne3A_75 : vector<1024x1536xi1> to vector<1024x1536xi1>
    %ne3A_77 = arith.xori %lt3A_72, %ne3A_76 : vector<1024x1536xi1>
    %and3A_78 = arith.andi %ne3A_77, %ne3A_70 : vector<1024x1536xi1>
    %add3A = vector.broadcast %select_n3A_65 : i32 to vector<1024x1536xi32>
    %add3A_79 = arith.addi %rem3A_67, %add3A : vector<1024x1536xi32>
    %select_n3A_80 = arith.select %and3A_78, %add3A_79, %rem3A_67 : vector<1024x1536xi1>, vector<1024x1536xi32>
    %mul3A = arith.constant 128 : i32
    %mul3A_81 = vector.broadcast %mul3A : i32 to vector<1024x1536xi32>
    %mul3A_82 = arith.muli %concatenate3A, %mul3A_81 : vector<1024x1536xi32>
    %add3A_83 = arith.addi %mul3A_82, %select_n3A_80 : vector<1024x1536xi32>
    %reduce_max3A = arith.constant dense<0xFF800000> : vector<1024xf32>
    %reduce_max3A_84 = vector.multi_reduction <maximumf>, %get3A_1, %reduce_max3A [1] : vector<1024x1536xf32> to vector<1024xf32>
    %broadcast_in_dim3A_85 = vector.shape_cast %reduce_max3A_84 : vector<1024xf32> to vector<1024x1xf32>
    %eq3A_86 = vector.broadcast %broadcast_in_dim3A_85 : vector<1024x1xf32> to vector<1024x1536xf32>
    %eq3A_87 = arith.cmpf oeq, %get3A_1, %eq3A_86 : vector<1024x1536xf32>
    %jit3A_88 = arith.constant 1073741824 : i32
    %broadcast_in_dim3A_89 = vector.broadcast %jit3A_88 : i32 to vector<1024x1536xi32>
    %select_n3A_90 = arith.select %eq3A_87, %add3A_83, %broadcast_in_dim3A_89 : vector<1024x1536xi1>, vector<1024x1536xi32>
    %reduce_min3A = arith.constant dense<2147483647> : vector<1024xi32>
    %reduce_min3A_91 = vector.multi_reduction <minsi>, %select_n3A_90, %reduce_min3A [1] : vector<1024x1536xi32> to vector<1024xi32>
    %broadcast_in_dim3A_92 = vector.shape_cast %reduce_min3A_91 : vector<1024xi32> to vector<1024x1xi32>
    %eq3A_93 = vector.broadcast %broadcast_in_dim3A_85 : vector<1024x1xf32> to vector<1024x1536xf32>
    %eq3A_94 = arith.cmpf oeq, %get3A_1, %eq3A_93 : vector<1024x1536xf32>
    %eq3A_95 = vector.broadcast %broadcast_in_dim3A_92 : vector<1024x1xi32> to vector<1024x1536xi32>
    %eq3A_96 = arith.cmpi eq, %add3A_83, %eq3A_95 : vector<1024x1536xi32>
    %and3A_97 = arith.andi %eq3A_94, %eq3A_96 : vector<1024x1536xi1>
    %jit3A_98 = arith.constant -1.000000e+30 : f32
    %broadcast_in_dim3A_99 = vector.broadcast %jit3A_98 : f32 to vector<1024x1536xf32>
    %select_n3A_100 = arith.select %and3A_97, %broadcast_in_dim3A_99, %get3A_1 : vector<1024x1536xi1>, vector<1024x1536xf32>
    %reduce_max3A_101 = arith.constant dense<0xFF800000> : vector<1024xf32>
    %reduce_max3A_102 = vector.multi_reduction <maximumf>, %select_n3A_100, %reduce_max3A_101 [1] : vector<1024x1536xf32> to vector<1024xf32>
    %broadcast_in_dim3A_103 = vector.shape_cast %reduce_max3A_102 : vector<1024xf32> to vector<1024x1xf32>
    %eq3A_104 = vector.broadcast %broadcast_in_dim3A_103 : vector<1024x1xf32> to vector<1024x1536xf32>
    %eq3A_105 = arith.cmpf oeq, %select_n3A_100, %eq3A_104 : vector<1024x1536xf32>
    %jit3A_106 = arith.constant 1073741824 : i32
    %broadcast_in_dim3A_107 = vector.broadcast %jit3A_106 : i32 to vector<1024x1536xi32>
    %select_n3A_108 = arith.select %eq3A_105, %add3A_83, %broadcast_in_dim3A_107 : vector<1024x1536xi1>, vector<1024x1536xi32>
    %reduce_min3A_109 = arith.constant dense<2147483647> : vector<1024xi32>
    %reduce_min3A_110 = vector.multi_reduction <minsi>, %select_n3A_108, %reduce_min3A_109 [1] : vector<1024x1536xi32> to vector<1024xi32>
    %broadcast_in_dim3A_111 = vector.shape_cast %reduce_min3A_110 : vector<1024xi32> to vector<1024x1xi32>
    %eq3A_112 = vector.broadcast %broadcast_in_dim3A_103 : vector<1024x1xf32> to vector<1024x1536xf32>
    %eq3A_113 = arith.cmpf oeq, %select_n3A_100, %eq3A_112 : vector<1024x1536xf32>
    %eq3A_114 = vector.broadcast %broadcast_in_dim3A_111 : vector<1024x1xi32> to vector<1024x1536xi32>
    %eq3A_115 = arith.cmpi eq, %add3A_83, %eq3A_114 : vector<1024x1536xi32>
    %and3A_116 = arith.andi %eq3A_113, %eq3A_115 : vector<1024x1536xi1>
    %jit3A_117 = arith.constant -1.000000e+30 : f32
    %broadcast_in_dim3A_118 = vector.broadcast %jit3A_117 : f32 to vector<1024x1536xf32>
    %select_n3A_119 = arith.select %and3A_116, %broadcast_in_dim3A_118, %select_n3A_100 : vector<1024x1536xi1>, vector<1024x1536xf32>
    %reduce_max3A_120 = arith.constant dense<0xFF800000> : vector<1024xf32>
    %reduce_max3A_121 = vector.multi_reduction <maximumf>, %select_n3A_119, %reduce_max3A_120 [1] : vector<1024x1536xf32> to vector<1024xf32>
    %broadcast_in_dim3A_122 = vector.shape_cast %reduce_max3A_121 : vector<1024xf32> to vector<1024x1xf32>
    %eq3A_123 = vector.broadcast %broadcast_in_dim3A_122 : vector<1024x1xf32> to vector<1024x1536xf32>
    %eq3A_124 = arith.cmpf oeq, %select_n3A_119, %eq3A_123 : vector<1024x1536xf32>
    %jit3A_125 = arith.constant 1073741824 : i32
    %broadcast_in_dim3A_126 = vector.broadcast %jit3A_125 : i32 to vector<1024x1536xi32>
    %select_n3A_127 = arith.select %eq3A_124, %add3A_83, %broadcast_in_dim3A_126 : vector<1024x1536xi1>, vector<1024x1536xi32>
    %reduce_min3A_128 = arith.constant dense<2147483647> : vector<1024xi32>
    %reduce_min3A_129 = vector.multi_reduction <minsi>, %select_n3A_127, %reduce_min3A_128 [1] : vector<1024x1536xi32> to vector<1024xi32>
    %broadcast_in_dim3A_130 = vector.shape_cast %reduce_min3A_129 : vector<1024xi32> to vector<1024x1xi32>
    %eq3A_131 = vector.broadcast %broadcast_in_dim3A_122 : vector<1024x1xf32> to vector<1024x1536xf32>
    %eq3A_132 = arith.cmpf oeq, %select_n3A_119, %eq3A_131 : vector<1024x1536xf32>
    %eq3A_133 = vector.broadcast %broadcast_in_dim3A_130 : vector<1024x1xi32> to vector<1024x1536xi32>
    %eq3A_134 = arith.cmpi eq, %add3A_83, %eq3A_133 : vector<1024x1536xi32>
    %and3A_135 = arith.andi %eq3A_132, %eq3A_134 : vector<1024x1536xi1>
    %jit3A_136 = arith.constant -1.000000e+30 : f32
    %broadcast_in_dim3A_137 = vector.broadcast %jit3A_136 : f32 to vector<1024x1536xf32>
    %select_n3A_138 = arith.select %and3A_135, %broadcast_in_dim3A_137, %select_n3A_119 : vector<1024x1536xi1>, vector<1024x1536xf32>
    %reduce_max3A_139 = arith.constant dense<0xFF800000> : vector<1024xf32>
    %reduce_max3A_140 = vector.multi_reduction <maximumf>, %select_n3A_138, %reduce_max3A_139 [1] : vector<1024x1536xf32> to vector<1024xf32>
    %broadcast_in_dim3A_141 = vector.shape_cast %reduce_max3A_140 : vector<1024xf32> to vector<1024x1xf32>
    %eq3A_142 = vector.broadcast %broadcast_in_dim3A_141 : vector<1024x1xf32> to vector<1024x1536xf32>
    %eq3A_143 = arith.cmpf oeq, %select_n3A_138, %eq3A_142 : vector<1024x1536xf32>
    %jit3A_144 = arith.constant 1073741824 : i32
    %broadcast_in_dim3A_145 = vector.broadcast %jit3A_144 : i32 to vector<1024x1536xi32>
    %select_n3A_146 = arith.select %eq3A_143, %add3A_83, %broadcast_in_dim3A_145 : vector<1024x1536xi1>, vector<1024x1536xi32>
    %reduce_min3A_147 = arith.constant dense<2147483647> : vector<1024xi32>
    %reduce_min3A_148 = vector.multi_reduction <minsi>, %select_n3A_146, %reduce_min3A_147 [1] : vector<1024x1536xi32> to vector<1024xi32>
    %broadcast_in_dim3A_149 = vector.shape_cast %reduce_min3A_148 : vector<1024xi32> to vector<1024x1xi32>
    %eq3A_150 = vector.broadcast %broadcast_in_dim3A_141 : vector<1024x1xf32> to vector<1024x1536xf32>
    %eq3A_151 = arith.cmpf oeq, %select_n3A_138, %eq3A_150 : vector<1024x1536xf32>
    %eq3A_152 = vector.broadcast %broadcast_in_dim3A_149 : vector<1024x1xi32> to vector<1024x1536xi32>
    %eq3A_153 = arith.cmpi eq, %add3A_83, %eq3A_152 : vector<1024x1536xi32>
    %and3A_154 = arith.andi %eq3A_151, %eq3A_153 : vector<1024x1536xi1>
    %jit3A_155 = arith.constant -1.000000e+30 : f32
    %broadcast_in_dim3A_156 = vector.broadcast %jit3A_155 : f32 to vector<1024x1536xf32>
    %select_n3A_157 = arith.select %and3A_154, %broadcast_in_dim3A_156, %select_n3A_138 : vector<1024x1536xi1>, vector<1024x1536xf32>
    %reduce_max3A_158 = arith.constant dense<0xFF800000> : vector<1024xf32>
    %reduce_max3A_159 = vector.multi_reduction <maximumf>, %select_n3A_157, %reduce_max3A_158 [1] : vector<1024x1536xf32> to vector<1024xf32>
    %broadcast_in_dim3A_160 = vector.shape_cast %reduce_max3A_159 : vector<1024xf32> to vector<1024x1xf32>
    %eq3A_161 = vector.broadcast %broadcast_in_dim3A_160 : vector<1024x1xf32> to vector<1024x1536xf32>
    %eq3A_162 = arith.cmpf oeq, %select_n3A_157, %eq3A_161 : vector<1024x1536xf32>
    %jit3A_163 = arith.constant 1073741824 : i32
    %broadcast_in_dim3A_164 = vector.broadcast %jit3A_163 : i32 to vector<1024x1536xi32>
    %select_n3A_165 = arith.select %eq3A_162, %add3A_83, %broadcast_in_dim3A_164 : vector<1024x1536xi1>, vector<1024x1536xi32>
    %reduce_min3A_166 = arith.constant dense<2147483647> : vector<1024xi32>
    %reduce_min3A_167 = vector.multi_reduction <minsi>, %select_n3A_165, %reduce_min3A_166 [1] : vector<1024x1536xi32> to vector<1024xi32>
    %broadcast_in_dim3A_168 = vector.shape_cast %reduce_min3A_167 : vector<1024xi32> to vector<1024x1xi32>
    %eq3A_169 = vector.broadcast %broadcast_in_dim3A_160 : vector<1024x1xf32> to vector<1024x1536xf32>
    %eq3A_170 = arith.cmpf oeq, %select_n3A_157, %eq3A_169 : vector<1024x1536xf32>
    %eq3A_171 = vector.broadcast %broadcast_in_dim3A_168 : vector<1024x1xi32> to vector<1024x1536xi32>
    %eq3A_172 = arith.cmpi eq, %add3A_83, %eq3A_171 : vector<1024x1536xi32>
    %and3A_173 = arith.andi %eq3A_170, %eq3A_172 : vector<1024x1536xi1>
    %jit3A_174 = arith.constant -1.000000e+30 : f32
    %broadcast_in_dim3A_175 = vector.broadcast %jit3A_174 : f32 to vector<1024x1536xf32>
    %select_n3A_176 = arith.select %and3A_173, %broadcast_in_dim3A_175, %select_n3A_157 : vector<1024x1536xi1>, vector<1024x1536xf32>
    %reduce_max3A_177 = arith.constant dense<0xFF800000> : vector<1024xf32>
    %reduce_max3A_178 = vector.multi_reduction <maximumf>, %select_n3A_176, %reduce_max3A_177 [1] : vector<1024x1536xf32> to vector<1024xf32>
    %broadcast_in_dim3A_179 = vector.shape_cast %reduce_max3A_178 : vector<1024xf32> to vector<1024x1xf32>
    %eq3A_180 = vector.broadcast %broadcast_in_dim3A_179 : vector<1024x1xf32> to vector<1024x1536xf32>
    %eq3A_181 = arith.cmpf oeq, %select_n3A_176, %eq3A_180 : vector<1024x1536xf32>
    %jit3A_182 = arith.constant 1073741824 : i32
    %broadcast_in_dim3A_183 = vector.broadcast %jit3A_182 : i32 to vector<1024x1536xi32>
    %select_n3A_184 = arith.select %eq3A_181, %add3A_83, %broadcast_in_dim3A_183 : vector<1024x1536xi1>, vector<1024x1536xi32>
    %reduce_min3A_185 = arith.constant dense<2147483647> : vector<1024xi32>
    %reduce_min3A_186 = vector.multi_reduction <minsi>, %select_n3A_184, %reduce_min3A_185 [1] : vector<1024x1536xi32> to vector<1024xi32>
    %broadcast_in_dim3A_187 = vector.shape_cast %reduce_min3A_186 : vector<1024xi32> to vector<1024x1xi32>
    %eq3A_188 = vector.broadcast %broadcast_in_dim3A_179 : vector<1024x1xf32> to vector<1024x1536xf32>
    %eq3A_189 = arith.cmpf oeq, %select_n3A_176, %eq3A_188 : vector<1024x1536xf32>
    %eq3A_190 = vector.broadcast %broadcast_in_dim3A_187 : vector<1024x1xi32> to vector<1024x1536xi32>
    %eq3A_191 = arith.cmpi eq, %add3A_83, %eq3A_190 : vector<1024x1536xi32>
    %and3A_192 = arith.andi %eq3A_189, %eq3A_191 : vector<1024x1536xi1>
    %jit3A_193 = arith.constant -1.000000e+30 : f32
    %broadcast_in_dim3A_194 = vector.broadcast %jit3A_193 : f32 to vector<1024x1536xf32>
    %select_n3A_195 = arith.select %and3A_192, %broadcast_in_dim3A_194, %select_n3A_176 : vector<1024x1536xi1>, vector<1024x1536xf32>
    %reduce_max3A_196 = arith.constant dense<0xFF800000> : vector<1024xf32>
    %reduce_max3A_197 = vector.multi_reduction <maximumf>, %select_n3A_195, %reduce_max3A_196 [1] : vector<1024x1536xf32> to vector<1024xf32>
    %broadcast_in_dim3A_198 = vector.shape_cast %reduce_max3A_197 : vector<1024xf32> to vector<1024x1xf32>
    %eq3A_199 = vector.broadcast %broadcast_in_dim3A_198 : vector<1024x1xf32> to vector<1024x1536xf32>
    %eq3A_200 = arith.cmpf oeq, %select_n3A_195, %eq3A_199 : vector<1024x1536xf32>
    %jit3A_201 = arith.constant 1073741824 : i32
    %broadcast_in_dim3A_202 = vector.broadcast %jit3A_201 : i32 to vector<1024x1536xi32>
    %select_n3A_203 = arith.select %eq3A_200, %add3A_83, %broadcast_in_dim3A_202 : vector<1024x1536xi1>, vector<1024x1536xi32>
    %reduce_min3A_204 = arith.constant dense<2147483647> : vector<1024xi32>
    %reduce_min3A_205 = vector.multi_reduction <minsi>, %select_n3A_203, %reduce_min3A_204 [1] : vector<1024x1536xi32> to vector<1024xi32>
    %broadcast_in_dim3A_206 = vector.shape_cast %reduce_min3A_205 : vector<1024xi32> to vector<1024x1xi32>
    %eq3A_207 = vector.broadcast %broadcast_in_dim3A_198 : vector<1024x1xf32> to vector<1024x1536xf32>
    %eq3A_208 = arith.cmpf oeq, %select_n3A_195, %eq3A_207 : vector<1024x1536xf32>
    %eq3A_209 = vector.broadcast %broadcast_in_dim3A_206 : vector<1024x1xi32> to vector<1024x1536xi32>
    %eq3A_210 = arith.cmpi eq, %add3A_83, %eq3A_209 : vector<1024x1536xi32>
    %and3A_211 = arith.andi %eq3A_208, %eq3A_210 : vector<1024x1536xi1>
    %jit3A_212 = arith.constant -1.000000e+30 : f32
    %broadcast_in_dim3A_213 = vector.broadcast %jit3A_212 : f32 to vector<1024x1536xf32>
    %select_n3A_214 = arith.select %and3A_211, %broadcast_in_dim3A_213, %select_n3A_195 : vector<1024x1536xi1>, vector<1024x1536xf32>
    %reduce_max3A_215 = arith.constant dense<0xFF800000> : vector<1024xf32>
    %reduce_max3A_216 = vector.multi_reduction <maximumf>, %select_n3A_214, %reduce_max3A_215 [1] : vector<1024x1536xf32> to vector<1024xf32>
    %broadcast_in_dim3A_217 = vector.shape_cast %reduce_max3A_216 : vector<1024xf32> to vector<1024x1xf32>
    %eq3A_218 = vector.broadcast %broadcast_in_dim3A_217 : vector<1024x1xf32> to vector<1024x1536xf32>
    %eq3A_219 = arith.cmpf oeq, %select_n3A_214, %eq3A_218 : vector<1024x1536xf32>
    %jit3A_220 = arith.constant 1073741824 : i32
    %broadcast_in_dim3A_221 = vector.broadcast %jit3A_220 : i32 to vector<1024x1536xi32>
    %select_n3A_222 = arith.select %eq3A_219, %add3A_83, %broadcast_in_dim3A_221 : vector<1024x1536xi1>, vector<1024x1536xi32>
    %reduce_min3A_223 = arith.constant dense<2147483647> : vector<1024xi32>
    %reduce_min3A_224 = vector.multi_reduction <minsi>, %select_n3A_222, %reduce_min3A_223 [1] : vector<1024x1536xi32> to vector<1024xi32>
    %broadcast_in_dim3A_225 = vector.shape_cast %reduce_min3A_224 : vector<1024xi32> to vector<1024x1xi32>
    %eq3A_226 = vector.broadcast %broadcast_in_dim3A_217 : vector<1024x1xf32> to vector<1024x1536xf32>
    %eq3A_227 = arith.cmpf oeq, %select_n3A_214, %eq3A_226 : vector<1024x1536xf32>
    %eq3A_228 = vector.broadcast %broadcast_in_dim3A_225 : vector<1024x1xi32> to vector<1024x1536xi32>
    %eq3A_229 = arith.cmpi eq, %add3A_83, %eq3A_228 : vector<1024x1536xi32>
    %and3A_230 = arith.andi %eq3A_227, %eq3A_229 : vector<1024x1536xi1>
    %jit3A_231 = arith.constant -1.000000e+30 : f32
    %broadcast_in_dim3A_232 = vector.broadcast %jit3A_231 : f32 to vector<1024x1536xf32>
    %select_n3A_233 = arith.select %and3A_230, %broadcast_in_dim3A_232, %select_n3A_214 : vector<1024x1536xi1>, vector<1024x1536xf32>
    %reduce_max3A_234 = arith.constant dense<0xFF800000> : vector<1024xf32>
    %reduce_max3A_235 = vector.multi_reduction <maximumf>, %select_n3A_233, %reduce_max3A_234 [1] : vector<1024x1536xf32> to vector<1024xf32>
    %broadcast_in_dim3A_236 = vector.shape_cast %reduce_max3A_235 : vector<1024xf32> to vector<1024x1xf32>
    %eq3A_237 = vector.broadcast %broadcast_in_dim3A_236 : vector<1024x1xf32> to vector<1024x1536xf32>
    %eq3A_238 = arith.cmpf oeq, %select_n3A_233, %eq3A_237 : vector<1024x1536xf32>
    %jit3A_239 = arith.constant 1073741824 : i32
    %broadcast_in_dim3A_240 = vector.broadcast %jit3A_239 : i32 to vector<1024x1536xi32>
    %select_n3A_241 = arith.select %eq3A_238, %add3A_83, %broadcast_in_dim3A_240 : vector<1024x1536xi1>, vector<1024x1536xi32>
    %reduce_min3A_242 = arith.constant dense<2147483647> : vector<1024xi32>
    %reduce_min3A_243 = vector.multi_reduction <minsi>, %select_n3A_241, %reduce_min3A_242 [1] : vector<1024x1536xi32> to vector<1024xi32>
    %broadcast_in_dim3A_244 = vector.shape_cast %reduce_min3A_243 : vector<1024xi32> to vector<1024x1xi32>
    %eq3A_245 = vector.broadcast %broadcast_in_dim3A_236 : vector<1024x1xf32> to vector<1024x1536xf32>
    %eq3A_246 = arith.cmpf oeq, %select_n3A_233, %eq3A_245 : vector<1024x1536xf32>
    %eq3A_247 = vector.broadcast %broadcast_in_dim3A_244 : vector<1024x1xi32> to vector<1024x1536xi32>
    %eq3A_248 = arith.cmpi eq, %add3A_83, %eq3A_247 : vector<1024x1536xi32>
    %and3A_249 = arith.andi %eq3A_246, %eq3A_248 : vector<1024x1536xi1>
    %jit3A_250 = arith.constant -1.000000e+30 : f32
    %broadcast_in_dim3A_251 = vector.broadcast %jit3A_250 : f32 to vector<1024x1536xf32>
    %select_n3A_252 = arith.select %and3A_249, %broadcast_in_dim3A_251, %select_n3A_233 : vector<1024x1536xi1>, vector<1024x1536xf32>
    %reduce_max3A_253 = arith.constant dense<0xFF800000> : vector<1024xf32>
    %reduce_max3A_254 = vector.multi_reduction <maximumf>, %select_n3A_252, %reduce_max3A_253 [1] : vector<1024x1536xf32> to vector<1024xf32>
    %broadcast_in_dim3A_255 = vector.shape_cast %reduce_max3A_254 : vector<1024xf32> to vector<1024x1xf32>
    %eq3A_256 = vector.broadcast %broadcast_in_dim3A_255 : vector<1024x1xf32> to vector<1024x1536xf32>
    %eq3A_257 = arith.cmpf oeq, %select_n3A_252, %eq3A_256 : vector<1024x1536xf32>
    %jit3A_258 = arith.constant 1073741824 : i32
    %broadcast_in_dim3A_259 = vector.broadcast %jit3A_258 : i32 to vector<1024x1536xi32>
    %select_n3A_260 = arith.select %eq3A_257, %add3A_83, %broadcast_in_dim3A_259 : vector<1024x1536xi1>, vector<1024x1536xi32>
    %reduce_min3A_261 = arith.constant dense<2147483647> : vector<1024xi32>
    %reduce_min3A_262 = vector.multi_reduction <minsi>, %select_n3A_260, %reduce_min3A_261 [1] : vector<1024x1536xi32> to vector<1024xi32>
    %broadcast_in_dim3A_263 = vector.shape_cast %reduce_min3A_262 : vector<1024xi32> to vector<1024x1xi32>
    %broadcast_in_dim3A_264 = arith.constant 0 : i32
    %broadcast_in_dim3A_265 = vector.broadcast %broadcast_in_dim3A_264 : i32 to vector<1024x2xi32>
    %concatenate3A_266 = tpu.concatenate %broadcast_in_dim3A_92, %broadcast_in_dim3A_111, %broadcast_in_dim3A_130, %broadcast_in_dim3A_149, %broadcast_in_dim3A_168, %broadcast_in_dim3A_187, %broadcast_in_dim3A_206, %broadcast_in_dim3A_225, %broadcast_in_dim3A_244, %broadcast_in_dim3A_263, %broadcast_in_dim3A_265 in 1 : vector<1024x1xi32>, vector<1024x1xi32>, vector<1024x1xi32>, vector<1024x1xi32>, vector<1024x1xi32>, vector<1024x1xi32>, vector<1024x1xi32>, vector<1024x1xi32>, vector<1024x1xi32>, vector<1024x1xi32>, vector<1024x2xi32> -> vector<1024x12xi32>
    %swap3A = arith.constant 0 : index
    %swap3A_267 = arith.constant 0 : index
    %swap3A_268 = vector.load %arg2[%swap3A, %swap3A_267] : memref<1024x12xi32, #tpu.memory_space<vmem>>, vector<1024x12xi32>
    tpu.vector_store %arg2[%swap3A, %swap3A_267], %concatenate3A_266 {strides = array<i32>} : memref<1024x12xi32, #tpu.memory_space<vmem>>, vector<1024x12xi32>,
    return
  }
}

module attributes {stable_mosaic.version = 14 : i64} {
  func.func @_mlp_body(%arg0: memref<1024x128xf32, #tpu.memory_space<vmem>>, %arg1: memref<1024x1280xf32, #tpu.memory_space<vmem>>, %arg2: memref<256x128xf32, #tpu.memory_space<vmem>>, %arg3: memref<1x128xf32, #tpu.memory_space<vmem>>, %arg4: memref<1x128xf32, #tpu.memory_space<vmem>>, %arg5: memref<1x1xf32, #tpu.memory_space<vmem>>, %arg6: memref<1024x12xf32, #tpu.memory_space<vmem>>) attributes {dimension_semantics = [], scalar_prefetch = 0 : i64, scratch_operands = 0 : i64, tpu.core_type = #tpu.core_type<tc>} {
    %get3A = arith.constant 0 : index
    %get3A_0 = arith.constant 0 : index
    %get3A_1 = vector.load %arg0[%get3A, %get3A_0] : memref<1024x128xf32, #tpu.memory_space<vmem>>, vector<1024x128xf32>
    %get3A_2 = arith.constant 0 : index
    %get3A_3 = arith.constant 0 : index
    %get3A_4 = vector.load %arg2[%get3A_2, %get3A_3] : memref<256x128xf32, #tpu.memory_space<vmem>>, vector<256x128xf32>
    %get3A_5 = arith.constant 0 : index
    %get3A_6 = arith.constant 0 : index
    %get3A_7 = vector.load %arg3[%get3A_5, %get3A_6] : memref<1x128xf32, #tpu.memory_space<vmem>>, vector<1x128xf32>
    %get3A_8 = arith.constant 0 : index
    %get3A_9 = arith.constant 0 : index
    %get3A_10 = vector.load %arg4[%get3A_8, %get3A_9] : memref<1x128xf32, #tpu.memory_space<vmem>>, vector<1x128xf32>
    %get3A_11 = arith.constant 0 : index
    %get3A_12 = arith.constant 0 : index
    %get3A_13 = vector.load %arg5[%get3A_11, %get3A_12] : memref<1x1xf32, #tpu.memory_space<vmem>>, vector<1x1xf32>
    %get3A_14 = vector.extract %get3A_13[0, 0] : f32 from vector<1x1xf32>
    %get3A_15 = arith.constant 0 : index
    %get3A_16 = arith.constant 0 : index
    %get3A_17 = vector.load %arg1[%get3A_15, %get3A_16] : memref<1024x1280xf32, #tpu.memory_space<vmem>>, vector<1024x128xf32>
    %concatenate3A = tpu.concatenate %get3A_1, %get3A_17 in 1 : vector<1024x128xf32>, vector<1024x128xf32> -> vector<1024x256xf32>
    %dot_general3A = arith.constant dense<0.000000e+00> : vector<1024x128xf32>
    %dot_general3A_18 = tpu.matmul %concatenate3A, %get3A_4, %dot_general3A {dimension_numbers = #tpu.dot_dimension_numbers<[1], [0], [0], [1], [0, 0, 1, 1], [], []>, transpose_lhs_hint = false} : vector<1024x256xf32>, vector<256x128xf32>, vector<1024x128xf32> -> vector<1024x128xf32>
    %add3A = vector.broadcast %get3A_7 : vector<1x128xf32> to vector<1024x128xf32>
    %add3A_19 = arith.addf %dot_general3A_18, %add3A : vector<1024x128xf32>
    %max3A = arith.constant 0.000000e+00 : f32
    %max3A_20 = vector.broadcast %max3A : f32 to vector<1024x128xf32>
    %max3A_21 = arith.maximumf %add3A_19, %max3A_20 : vector<1024x128xf32>
    %mul3A = vector.broadcast %get3A_10 : vector<1x128xf32> to vector<1024x128xf32>
    %mul3A_22 = arith.mulf %max3A_21, %mul3A : vector<1024x128xf32>
    %reduce_sum3A = arith.constant dense<0.000000e+00> : vector<1024xf32>
    %reduce_sum3A_23 = vector.multi_reduction <add>, %mul3A_22, %reduce_sum3A [1] : vector<1024x128xf32> to vector<1024xf32>
    %broadcast_in_dim3A = vector.shape_cast %reduce_sum3A_23 : vector<1024xf32> to vector<1024x1xf32>
    %add3A_24 = vector.broadcast %get3A_14 : f32 to vector<1024x1xf32>
    %add3A_25 = arith.addf %broadcast_in_dim3A, %add3A_24 : vector<1024x1xf32>
    %get3A_26 = arith.constant 0 : index
    %get3A_27 = arith.constant 128 : index
    %get3A_28 = vector.load %arg1[%get3A_26, %get3A_27] : memref<1024x1280xf32, #tpu.memory_space<vmem>>, vector<1024x128xf32>
    %concatenate3A_29 = tpu.concatenate %get3A_1, %get3A_28 in 1 : vector<1024x128xf32>, vector<1024x128xf32> -> vector<1024x256xf32>
    %dot_general3A_30 = arith.constant dense<0.000000e+00> : vector<1024x128xf32>
    %dot_general3A_31 = tpu.matmul %concatenate3A_29, %get3A_4, %dot_general3A_30 {dimension_numbers = #tpu.dot_dimension_numbers<[1], [0], [0], [1], [0, 0, 1, 1], [], []>, transpose_lhs_hint = false} : vector<1024x256xf32>, vector<256x128xf32>, vector<1024x128xf32> -> vector<1024x128xf32>
    %add3A_32 = vector.broadcast %get3A_7 : vector<1x128xf32> to vector<1024x128xf32>
    %add3A_33 = arith.addf %dot_general3A_31, %add3A_32 : vector<1024x128xf32>
    %max3A_34 = arith.constant 0.000000e+00 : f32
    %max3A_35 = vector.broadcast %max3A_34 : f32 to vector<1024x128xf32>
    %max3A_36 = arith.maximumf %add3A_33, %max3A_35 : vector<1024x128xf32>
    %mul3A_37 = vector.broadcast %get3A_10 : vector<1x128xf32> to vector<1024x128xf32>
    %mul3A_38 = arith.mulf %max3A_36, %mul3A_37 : vector<1024x128xf32>
    %reduce_sum3A_39 = arith.constant dense<0.000000e+00> : vector<1024xf32>
    %reduce_sum3A_40 = vector.multi_reduction <add>, %mul3A_38, %reduce_sum3A_39 [1] : vector<1024x128xf32> to vector<1024xf32>
    %broadcast_in_dim3A_41 = vector.shape_cast %reduce_sum3A_40 : vector<1024xf32> to vector<1024x1xf32>
    %add3A_42 = vector.broadcast %get3A_14 : f32 to vector<1024x1xf32>
    %add3A_43 = arith.addf %broadcast_in_dim3A_41, %add3A_42 : vector<1024x1xf32>
    %get3A_44 = arith.constant 0 : index
    %get3A_45 = arith.constant 256 : index
    %get3A_46 = vector.load %arg1[%get3A_44, %get3A_45] : memref<1024x1280xf32, #tpu.memory_space<vmem>>, vector<1024x128xf32>
    %concatenate3A_47 = tpu.concatenate %get3A_1, %get3A_46 in 1 : vector<1024x128xf32>, vector<1024x128xf32> -> vector<1024x256xf32>
    %dot_general3A_48 = arith.constant dense<0.000000e+00> : vector<1024x128xf32>
    %dot_general3A_49 = tpu.matmul %concatenate3A_47, %get3A_4, %dot_general3A_48 {dimension_numbers = #tpu.dot_dimension_numbers<[1], [0], [0], [1], [0, 0, 1, 1], [], []>, transpose_lhs_hint = false} : vector<1024x256xf32>, vector<256x128xf32>, vector<1024x128xf32> -> vector<1024x128xf32>
    %add3A_50 = vector.broadcast %get3A_7 : vector<1x128xf32> to vector<1024x128xf32>
    %add3A_51 = arith.addf %dot_general3A_49, %add3A_50 : vector<1024x128xf32>
    %max3A_52 = arith.constant 0.000000e+00 : f32
    %max3A_53 = vector.broadcast %max3A_52 : f32 to vector<1024x128xf32>
    %max3A_54 = arith.maximumf %add3A_51, %max3A_53 : vector<1024x128xf32>
    %mul3A_55 = vector.broadcast %get3A_10 : vector<1x128xf32> to vector<1024x128xf32>
    %mul3A_56 = arith.mulf %max3A_54, %mul3A_55 : vector<1024x128xf32>
    %reduce_sum3A_57 = arith.constant dense<0.000000e+00> : vector<1024xf32>
    %reduce_sum3A_58 = vector.multi_reduction <add>, %mul3A_56, %reduce_sum3A_57 [1] : vector<1024x128xf32> to vector<1024xf32>
    %broadcast_in_dim3A_59 = vector.shape_cast %reduce_sum3A_58 : vector<1024xf32> to vector<1024x1xf32>
    %add3A_60 = vector.broadcast %get3A_14 : f32 to vector<1024x1xf32>
    %add3A_61 = arith.addf %broadcast_in_dim3A_59, %add3A_60 : vector<1024x1xf32>
    %get3A_62 = arith.constant 0 : index
    %get3A_63 = arith.constant 384 : index
    %get3A_64 = vector.load %arg1[%get3A_62, %get3A_63] : memref<1024x1280xf32, #tpu.memory_space<vmem>>, vector<1024x128xf32>
    %concatenate3A_65 = tpu.concatenate %get3A_1, %get3A_64 in 1 : vector<1024x128xf32>, vector<1024x128xf32> -> vector<1024x256xf32>
    %dot_general3A_66 = arith.constant dense<0.000000e+00> : vector<1024x128xf32>
    %dot_general3A_67 = tpu.matmul %concatenate3A_65, %get3A_4, %dot_general3A_66 {dimension_numbers = #tpu.dot_dimension_numbers<[1], [0], [0], [1], [0, 0, 1, 1], [], []>, transpose_lhs_hint = false} : vector<1024x256xf32>, vector<256x128xf32>, vector<1024x128xf32> -> vector<1024x128xf32>
    %add3A_68 = vector.broadcast %get3A_7 : vector<1x128xf32> to vector<1024x128xf32>
    %add3A_69 = arith.addf %dot_general3A_67, %add3A_68 : vector<1024x128xf32>
    %max3A_70 = arith.constant 0.000000e+00 : f32
    %max3A_71 = vector.broadcast %max3A_70 : f32 to vector<1024x128xf32>
    %max3A_72 = arith.maximumf %add3A_69, %max3A_71 : vector<1024x128xf32>
    %mul3A_73 = vector.broadcast %get3A_10 : vector<1x128xf32> to vector<1024x128xf32>
    %mul3A_74 = arith.mulf %max3A_72, %mul3A_73 : vector<1024x128xf32>
    %reduce_sum3A_75 = arith.constant dense<0.000000e+00> : vector<1024xf32>
    %reduce_sum3A_76 = vector.multi_reduction <add>, %mul3A_74, %reduce_sum3A_75 [1] : vector<1024x128xf32> to vector<1024xf32>
    %broadcast_in_dim3A_77 = vector.shape_cast %reduce_sum3A_76 : vector<1024xf32> to vector<1024x1xf32>
    %add3A_78 = vector.broadcast %get3A_14 : f32 to vector<1024x1xf32>
    %add3A_79 = arith.addf %broadcast_in_dim3A_77, %add3A_78 : vector<1024x1xf32>
    %get3A_80 = arith.constant 0 : index
    %get3A_81 = arith.constant 512 : index
    %get3A_82 = vector.load %arg1[%get3A_80, %get3A_81] : memref<1024x1280xf32, #tpu.memory_space<vmem>>, vector<1024x128xf32>
    %concatenate3A_83 = tpu.concatenate %get3A_1, %get3A_82 in 1 : vector<1024x128xf32>, vector<1024x128xf32> -> vector<1024x256xf32>
    %dot_general3A_84 = arith.constant dense<0.000000e+00> : vector<1024x128xf32>
    %dot_general3A_85 = tpu.matmul %concatenate3A_83, %get3A_4, %dot_general3A_84 {dimension_numbers = #tpu.dot_dimension_numbers<[1], [0], [0], [1], [0, 0, 1, 1], [], []>, transpose_lhs_hint = false} : vector<1024x256xf32>, vector<256x128xf32>, vector<1024x128xf32> -> vector<1024x128xf32>
    %add3A_86 = vector.broadcast %get3A_7 : vector<1x128xf32> to vector<1024x128xf32>
    %add3A_87 = arith.addf %dot_general3A_85, %add3A_86 : vector<1024x128xf32>
    %max3A_88 = arith.constant 0.000000e+00 : f32
    %max3A_89 = vector.broadcast %max3A_88 : f32 to vector<1024x128xf32>
    %max3A_90 = arith.maximumf %add3A_87, %max3A_89 : vector<1024x128xf32>
    %mul3A_91 = vector.broadcast %get3A_10 : vector<1x128xf32> to vector<1024x128xf32>
    %mul3A_92 = arith.mulf %max3A_90, %mul3A_91 : vector<1024x128xf32>
    %reduce_sum3A_93 = arith.constant dense<0.000000e+00> : vector<1024xf32>
    %reduce_sum3A_94 = vector.multi_reduction <add>, %mul3A_92, %reduce_sum3A_93 [1] : vector<1024x128xf32> to vector<1024xf32>
    %broadcast_in_dim3A_95 = vector.shape_cast %reduce_sum3A_94 : vector<1024xf32> to vector<1024x1xf32>
    %add3A_96 = vector.broadcast %get3A_14 : f32 to vector<1024x1xf32>
    %add3A_97 = arith.addf %broadcast_in_dim3A_95, %add3A_96 : vector<1024x1xf32>
    %get3A_98 = arith.constant 0 : index
    %get3A_99 = arith.constant 640 : index
    %get3A_100 = vector.load %arg1[%get3A_98, %get3A_99] : memref<1024x1280xf32, #tpu.memory_space<vmem>>, vector<1024x128xf32>
    %concatenate3A_101 = tpu.concatenate %get3A_1, %get3A_100 in 1 : vector<1024x128xf32>, vector<1024x128xf32> -> vector<1024x256xf32>
    %dot_general3A_102 = arith.constant dense<0.000000e+00> : vector<1024x128xf32>
    %dot_general3A_103 = tpu.matmul %concatenate3A_101, %get3A_4, %dot_general3A_102 {dimension_numbers = #tpu.dot_dimension_numbers<[1], [0], [0], [1], [0, 0, 1, 1], [], []>, transpose_lhs_hint = false} : vector<1024x256xf32>, vector<256x128xf32>, vector<1024x128xf32> -> vector<1024x128xf32>
    %add3A_104 = vector.broadcast %get3A_7 : vector<1x128xf32> to vector<1024x128xf32>
    %add3A_105 = arith.addf %dot_general3A_103, %add3A_104 : vector<1024x128xf32>
    %max3A_106 = arith.constant 0.000000e+00 : f32
    %max3A_107 = vector.broadcast %max3A_106 : f32 to vector<1024x128xf32>
    %max3A_108 = arith.maximumf %add3A_105, %max3A_107 : vector<1024x128xf32>
    %mul3A_109 = vector.broadcast %get3A_10 : vector<1x128xf32> to vector<1024x128xf32>
    %mul3A_110 = arith.mulf %max3A_108, %mul3A_109 : vector<1024x128xf32>
    %reduce_sum3A_111 = arith.constant dense<0.000000e+00> : vector<1024xf32>
    %reduce_sum3A_112 = vector.multi_reduction <add>, %mul3A_110, %reduce_sum3A_111 [1] : vector<1024x128xf32> to vector<1024xf32>
    %broadcast_in_dim3A_113 = vector.shape_cast %reduce_sum3A_112 : vector<1024xf32> to vector<1024x1xf32>
    %add3A_114 = vector.broadcast %get3A_14 : f32 to vector<1024x1xf32>
    %add3A_115 = arith.addf %broadcast_in_dim3A_113, %add3A_114 : vector<1024x1xf32>
    %get3A_116 = arith.constant 0 : index
    %get3A_117 = arith.constant 768 : index
    %get3A_118 = vector.load %arg1[%get3A_116, %get3A_117] : memref<1024x1280xf32, #tpu.memory_space<vmem>>, vector<1024x128xf32>
    %concatenate3A_119 = tpu.concatenate %get3A_1, %get3A_118 in 1 : vector<1024x128xf32>, vector<1024x128xf32> -> vector<1024x256xf32>
    %dot_general3A_120 = arith.constant dense<0.000000e+00> : vector<1024x128xf32>
    %dot_general3A_121 = tpu.matmul %concatenate3A_119, %get3A_4, %dot_general3A_120 {dimension_numbers = #tpu.dot_dimension_numbers<[1], [0], [0], [1], [0, 0, 1, 1], [], []>, transpose_lhs_hint = false} : vector<1024x256xf32>, vector<256x128xf32>, vector<1024x128xf32> -> vector<1024x128xf32>
    %add3A_122 = vector.broadcast %get3A_7 : vector<1x128xf32> to vector<1024x128xf32>
    %add3A_123 = arith.addf %dot_general3A_121, %add3A_122 : vector<1024x128xf32>
    %max3A_124 = arith.constant 0.000000e+00 : f32
    %max3A_125 = vector.broadcast %max3A_124 : f32 to vector<1024x128xf32>
    %max3A_126 = arith.maximumf %add3A_123, %max3A_125 : vector<1024x128xf32>
    %mul3A_127 = vector.broadcast %get3A_10 : vector<1x128xf32> to vector<1024x128xf32>
    %mul3A_128 = arith.mulf %max3A_126, %mul3A_127 : vector<1024x128xf32>
    %reduce_sum3A_129 = arith.constant dense<0.000000e+00> : vector<1024xf32>
    %reduce_sum3A_130 = vector.multi_reduction <add>, %mul3A_128, %reduce_sum3A_129 [1] : vector<1024x128xf32> to vector<1024xf32>
    %broadcast_in_dim3A_131 = vector.shape_cast %reduce_sum3A_130 : vector<1024xf32> to vector<1024x1xf32>
    %add3A_132 = vector.broadcast %get3A_14 : f32 to vector<1024x1xf32>
    %add3A_133 = arith.addf %broadcast_in_dim3A_131, %add3A_132 : vector<1024x1xf32>
    %get3A_134 = arith.constant 0 : index
    %get3A_135 = arith.constant 896 : index
    %get3A_136 = vector.load %arg1[%get3A_134, %get3A_135] : memref<1024x1280xf32, #tpu.memory_space<vmem>>, vector<1024x128xf32>
    %concatenate3A_137 = tpu.concatenate %get3A_1, %get3A_136 in 1 : vector<1024x128xf32>, vector<1024x128xf32> -> vector<1024x256xf32>
    %dot_general3A_138 = arith.constant dense<0.000000e+00> : vector<1024x128xf32>
    %dot_general3A_139 = tpu.matmul %concatenate3A_137, %get3A_4, %dot_general3A_138 {dimension_numbers = #tpu.dot_dimension_numbers<[1], [0], [0], [1], [0, 0, 1, 1], [], []>, transpose_lhs_hint = false} : vector<1024x256xf32>, vector<256x128xf32>, vector<1024x128xf32> -> vector<1024x128xf32>
    %add3A_140 = vector.broadcast %get3A_7 : vector<1x128xf32> to vector<1024x128xf32>
    %add3A_141 = arith.addf %dot_general3A_139, %add3A_140 : vector<1024x128xf32>
    %max3A_142 = arith.constant 0.000000e+00 : f32
    %max3A_143 = vector.broadcast %max3A_142 : f32 to vector<1024x128xf32>
    %max3A_144 = arith.maximumf %add3A_141, %max3A_143 : vector<1024x128xf32>
    %mul3A_145 = vector.broadcast %get3A_10 : vector<1x128xf32> to vector<1024x128xf32>
    %mul3A_146 = arith.mulf %max3A_144, %mul3A_145 : vector<1024x128xf32>
    %reduce_sum3A_147 = arith.constant dense<0.000000e+00> : vector<1024xf32>
    %reduce_sum3A_148 = vector.multi_reduction <add>, %mul3A_146, %reduce_sum3A_147 [1] : vector<1024x128xf32> to vector<1024xf32>
    %broadcast_in_dim3A_149 = vector.shape_cast %reduce_sum3A_148 : vector<1024xf32> to vector<1024x1xf32>
    %add3A_150 = vector.broadcast %get3A_14 : f32 to vector<1024x1xf32>
    %add3A_151 = arith.addf %broadcast_in_dim3A_149, %add3A_150 : vector<1024x1xf32>
    %get3A_152 = arith.constant 0 : index
    %get3A_153 = arith.constant 1024 : index
    %get3A_154 = vector.load %arg1[%get3A_152, %get3A_153] : memref<1024x1280xf32, #tpu.memory_space<vmem>>, vector<1024x128xf32>
    %concatenate3A_155 = tpu.concatenate %get3A_1, %get3A_154 in 1 : vector<1024x128xf32>, vector<1024x128xf32> -> vector<1024x256xf32>
    %dot_general3A_156 = arith.constant dense<0.000000e+00> : vector<1024x128xf32>
    %dot_general3A_157 = tpu.matmul %concatenate3A_155, %get3A_4, %dot_general3A_156 {dimension_numbers = #tpu.dot_dimension_numbers<[1], [0], [0], [1], [0, 0, 1, 1], [], []>, transpose_lhs_hint = false} : vector<1024x256xf32>, vector<256x128xf32>, vector<1024x128xf32> -> vector<1024x128xf32>
    %add3A_158 = vector.broadcast %get3A_7 : vector<1x128xf32> to vector<1024x128xf32>
    %add3A_159 = arith.addf %dot_general3A_157, %add3A_158 : vector<1024x128xf32>
    %max3A_160 = arith.constant 0.000000e+00 : f32
    %max3A_161 = vector.broadcast %max3A_160 : f32 to vector<1024x128xf32>
    %max3A_162 = arith.maximumf %add3A_159, %max3A_161 : vector<1024x128xf32>
    %mul3A_163 = vector.broadcast %get3A_10 : vector<1x128xf32> to vector<1024x128xf32>
    %mul3A_164 = arith.mulf %max3A_162, %mul3A_163 : vector<1024x128xf32>
    %reduce_sum3A_165 = arith.constant dense<0.000000e+00> : vector<1024xf32>
    %reduce_sum3A_166 = vector.multi_reduction <add>, %mul3A_164, %reduce_sum3A_165 [1] : vector<1024x128xf32> to vector<1024xf32>
    %broadcast_in_dim3A_167 = vector.shape_cast %reduce_sum3A_166 : vector<1024xf32> to vector<1024x1xf32>
    %add3A_168 = vector.broadcast %get3A_14 : f32 to vector<1024x1xf32>
    %add3A_169 = arith.addf %broadcast_in_dim3A_167, %add3A_168 : vector<1024x1xf32>
    %get3A_170 = arith.constant 0 : index
    %get3A_171 = arith.constant 1152 : index
    %get3A_172 = vector.load %arg1[%get3A_170, %get3A_171] : memref<1024x1280xf32, #tpu.memory_space<vmem>>, vector<1024x128xf32>
    %concatenate3A_173 = tpu.concatenate %get3A_1, %get3A_172 in 1 : vector<1024x128xf32>, vector<1024x128xf32> -> vector<1024x256xf32>
    %dot_general3A_174 = arith.constant dense<0.000000e+00> : vector<1024x128xf32>
    %dot_general3A_175 = tpu.matmul %concatenate3A_173, %get3A_4, %dot_general3A_174 {dimension_numbers = #tpu.dot_dimension_numbers<[1], [0], [0], [1], [0, 0, 1, 1], [], []>, transpose_lhs_hint = false} : vector<1024x256xf32>, vector<256x128xf32>, vector<1024x128xf32> -> vector<1024x128xf32>
    %add3A_176 = vector.broadcast %get3A_7 : vector<1x128xf32> to vector<1024x128xf32>
    %add3A_177 = arith.addf %dot_general3A_175, %add3A_176 : vector<1024x128xf32>
    %max3A_178 = arith.constant 0.000000e+00 : f32
    %max3A_179 = vector.broadcast %max3A_178 : f32 to vector<1024x128xf32>
    %max3A_180 = arith.maximumf %add3A_177, %max3A_179 : vector<1024x128xf32>
    %mul3A_181 = vector.broadcast %get3A_10 : vector<1x128xf32> to vector<1024x128xf32>
    %mul3A_182 = arith.mulf %max3A_180, %mul3A_181 : vector<1024x128xf32>
    %reduce_sum3A_183 = arith.constant dense<0.000000e+00> : vector<1024xf32>
    %reduce_sum3A_184 = vector.multi_reduction <add>, %mul3A_182, %reduce_sum3A_183 [1] : vector<1024x128xf32> to vector<1024xf32>
    %broadcast_in_dim3A_185 = vector.shape_cast %reduce_sum3A_184 : vector<1024xf32> to vector<1024x1xf32>
    %add3A_186 = vector.broadcast %get3A_14 : f32 to vector<1024x1xf32>
    %add3A_187 = arith.addf %broadcast_in_dim3A_185, %add3A_186 : vector<1024x1xf32>
    %broadcast_in_dim3A_188 = arith.constant 0.000000e+00 : f32
    %broadcast_in_dim3A_189 = vector.broadcast %broadcast_in_dim3A_188 : f32 to vector<1024x2xf32>
    %concatenate3A_190 = tpu.concatenate %add3A_25, %add3A_43, %add3A_61, %add3A_79, %add3A_97, %add3A_115, %add3A_133, %add3A_151, %add3A_169, %add3A_187, %broadcast_in_dim3A_189 in 1 : vector<1024x1xf32>, vector<1024x1xf32>, vector<1024x1xf32>, vector<1024x1xf32>, vector<1024x1xf32>, vector<1024x1xf32>, vector<1024x1xf32>, vector<1024x1xf32>, vector<1024x1xf32>, vector<1024x1xf32>, vector<1024x2xf32> -> vector<1024x12xf32>
    %logistic3A = arith.negf %concatenate3A_190 : vector<1024x12xf32>
    %logistic3A_191 = math.exp %logistic3A : vector<1024x12xf32>
    %logistic3A_192 = arith.constant 1.000000e+00 : f32
    %logistic3A_193 = vector.broadcast %logistic3A_192 : f32 to vector<1024x12xf32>
    %logistic3A_194 = arith.addf %logistic3A_193, %logistic3A_191 : vector<1024x12xf32>
    %logistic3A_195 = arith.divf %logistic3A_193, %logistic3A_194 : vector<1024x12xf32>
    %swap3A = arith.constant 0 : index
    %swap3A_196 = arith.constant 0 : index
    %swap3A_197 = vector.load %arg6[%swap3A, %swap3A_196] : memref<1024x12xf32, #tpu.memory_space<vmem>>, vector<1024x12xf32>
    tpu.vector_store %arg6[%swap3A, %swap3A_196], %logistic3A_195 {strides = array<i32>} : memref<1024x12xf32, #tpu.memory_space<vmem>>, vector<1024x12xf32>,
    return
  }
}

</mosaic_0001>

<sc_bundles>
// kernel: kernel.11.cloned.1.call-start
scs
__scs_entry_jumppad:
0x0: {  	(pc) =	sbr.rel $0x88, $3  }
0x1: {  	(tag) =	ssettag $0x0;
	lr =	simm.s32 $0x1  }
0x2: {  	[smem:$0x3F9A] =	sst lr;
	_ =	strace $0xD0000000  }
0x3: {  	_ = 	snop  }
0x4: {  	_ = 	snop  }
0x5: {  	_ = 	snop  }
0x6: {  	_ = 	snop  }
0x7: {  	_ = 	snop  }
__scs_overlays_trampoline_lowered:
0x8: {  	[smem:$0x3FA9] =	sst s0  }
0x9: {  	[smem:$0x3FAA] =	sst s1  }
0xa: {  	[smem:$0x3FAB] =	sst s2  }
0xb: {  	[smem:$0x3FAC] =	sst s3  }
0xc: {  	[smem:$0x3FAD] =	sst s4  }
0xd: {  	[smem:$0x3FAE] =	sst s5  }
0xe: {  	[smem:$0x3FAF] =	sst s6  }
0xf: {  	[smem:$0x3FB0] =	sst s7  }
0x10: {  	[smem:$0x3FB1] =	sst s8  }
0x11: {  	[smem:$0x3FB2] =	sst s9;
	s0 =	simm.s32 @!p0 $0x0  }
0x12: {  	s1 =	sld [smem:$0x3F98];
	s0 =	simm.s32 @p0 $0x1  }
0x13: {  	[smem:$0x3FB3] =	sst s0;
	s0 =	simm.s32 @!p1 $0x0  }
0x14: {  	s2 =	sld [smem:$0x3F97];
	s0 =	simm.s32 @p1 $0x1  }
0x15: {  	[smem:$0x3FB4] =	sst s0;
	s0 =	simm.s32 @!p2 $0x0  }
0x16: {  	s3 =	sld [smem:$0x3FDB];
	s0 =	simm.s32 @p2 $0x1  }
0x17: {  	s4 =	simm.s32 $0x1BF5;
	[smem:$0x3FB6] =	sst s0  }
0x18: {  	s0 =	sld [smem:$0x3F99];
	_ =	swait.ge [sflag:s4], $0x0  }
0x19: {  	s7 =	sld [smem:$0x3F9A]  }
0x1a: {  	s8 =	sadd.s32 $0xFFFFE003, lr  }
0x1b: {  	s9 =	sadd.s32 $0xFFFFFEF7, lr;
	s5 =	simm.s32 $0xFFFFFFFF;
	p2 =	slt.u32 s8, $0xFFFFF086  }
0x1c: {  	p1 =	slt.u32 s9, $0xF7A;
	s5 =	simm.s32 @!p2 $0x0  }
0x1d: {  	s5 =	simm.s32 @p1 $0x1;
	p0 =	seq.s32 s7, s2  }
0x1e: {  	s7 =	smul.u32 @!p0 $0xF7A, s2;
	p2 =	seq.s32 @!p0 s5, $0x0  }
0x1f: {  	s9 =	smul.u32 $0xF7A, s1;
	s8 =	simm.s32 @!p0 $0x1BF5;
	p2 =	por !p2, p0  }
0x20: {  	[sflag:s8] =	ssyncset.s32 @!p0 $0xFFFFF086;
	s6 =	sadd.s32 @!p0 s3, s7;
	s7 =	simm.s32 @!p0 $0x108  }
0x21: {  	s3 =	sadd.s32 s3, s9;
	s6 =	sadd.s32 @!p0 $0x88, s6;
	s7 =	simm.s32 @p2 $0x1082  }
0x22: {  	[simem:s7], [sflag:s8] =	dma.local @!p0 [hbm:s6], $0xF7A  }
0x23: {  	s9 =	sor.u32 $0xD0000000, s2;
	s6 =	simm.s32 $0x108;
	_ =	swait.ge @!p0 [sflag:s8], $0x0  }
0x24: {  	s3 =	sadd.s32 $0x88, s3;
	s6 =	simm.s32 @!p1 $0x1082;
	[sflag:s4] =	ssyncset.s32 $0xFFFFF086  }
0x25: {  	[simem:s6], [sflag:s4] =	dma.local [hbm:s3], $0xF7A  }
0x26: {  	[smem:$0x3F9A] =	sst s1;
	(tag) =	ssettag s2;
	_ =	strace s9  }
0x27: {  	s1 =	sld [smem:$0x3FAA]  }
0x28: {  	s2 =	sld [smem:$0x3FAB]  }
0x29: {  	s4 =	sld [smem:$0x3FAD]  }
0x2a: {  	p0 =	seq.s32 s5, $0x0;
	s5 =	sld [smem:$0x3FAE]  }
0x2b: {  	s6 =	sld [smem:$0x3FAF]  }
0x2c: {  	s7 =	sld [smem:$0x3FB0]  }
0x2d: {  	s3 =	simm.s32 $0x108;
	s8 =	sld [smem:$0x3FB1]  }
0x2e: {  	s3 =	simm.s32 @!p0 $0x1082;
	s9 =	sld [smem:$0x3FB2]  }
0x2f: {  	lr =	sadd.s32 s0, s3;
	s0 =	sld [smem:$0x3FA9]  }
0x30: {  	s3 =	sld [smem:$0x3FAC]  }
0x31: {  	[smem:$0x3FB5] =	sst s10  }
0x32: {  	s10 =	sld [smem:$0x3FB3];
	_ =	sdelay $0x3  }
0x33: {  	p0 =	seq.s32 s10, $0x1;
	s10 =	sld [smem:$0x3FB5];
	_ =	sdelay $0x3  }
0x34: {  	[smem:$0x3FB5] =	sst s10  }
0x35: {  	s10 =	sld [smem:$0x3FB4];
	_ =	sdelay $0x3  }
0x36: {  	p1 =	seq.s32 s10, $0x1;
	s10 =	sld [smem:$0x3FB5];
	_ =	sdelay $0x3  }
0x37: {  	[smem:$0x3FB5] =	sst s10  }
0x38: {  	s10 =	sld [smem:$0x3FB6]  }
0x39: {  	_ = 	snop;
	(pc) =	sbr.ind lr, $3  }
0x3a: {  	_ = 	snop  }
0x3b: {  	_ = 	snop  }
0x3c: {  	p2 =	seq.s32 s10, $0x1;
	s10 =	sld [smem:$0x3FB5]  }
0x3d: {  	_ =	shalt  }
0x3e: {  	_ =	shalt  }
0x3f: {  	_ =	shalt  }
0x40: {  	_ =	shalt  }
0x41: {  	_ =	shalt  }
0x42: {  	_ =	shalt  }
0x43: {  	_ =	shalt  }
0x44: {  	_ =	shalt  }
0x45: {  	_ =	shalt  }
0x46: {  	_ =	shalt  }
0x47: {  	_ =	shalt  }
0x48: {  	_ =	shalt  }
0x49: {  	_ =	shalt  }
0x4a: {  	_ =	shalt  }
0x4b: {  	_ =	shalt  }
0x4c: {  	_ =	shalt  }
0x4d: {  	_ =	shalt  }
0x4e: {  	_ =	shalt  }
0x4f: {  	_ =	shalt  }
0x50: {  	_ =	shalt  }
0x51: {  	_ =	shalt  }
0x52: {  	_ =	shalt  }
0x53: {  	_ =	shalt  }
0x54: {  	_ =	shalt  }
0x55: {  	_ =	shalt  }
0x56: {  	_ =	shalt  }
0x57: {  	_ =	shalt  }
0x58: {  	_ =	shalt  }
0x59: {  	_ =	shalt  }
0x5a: {  	_ =	shalt  }
0x5b: {  	_ =	shalt  }
0x5c: {  	_ =	shalt  }
0x5d: {  	_ =	shalt  }
0x5e: {  	_ =	shalt  }
0x5f: {  	_ =	shalt  }
0x60: {  	_ =	shalt  }
0x61: {  	_ =	shalt  }
0x62: {  	_ =	shalt  }
0x63: {  	_ =	shalt  }
0x64: {  	_ =	shalt  }
0x65: {  	_ =	shalt  }
0x66: {  	_ =	shalt  }
0x67: {  	_ =	shalt  }
0x68: {  	_ =	shalt  }
0x69: {  	_ =	shalt  }
0x6a: {  	_ =	shalt  }
0x6b: {  	_ =	shalt  }
0x6c: {  	_ =	shalt  }
0x6d: {  	_ =	shalt  }
0x6e: {  	_ =	shalt  }
0x6f: {  	_ =	shalt  }
0x70: {  	_ =	shalt  }
0x71: {  	_ =	shalt  }
0x72: {  	_ =	shalt  }
0x73: {  	_ =	shalt  }
0x74: {  	_ =	shalt  }
0x75: {  	_ =	shalt  }
0x76: {  	_ =	shalt  }
0x77: {  	_ =	shalt  }
0x78: {  	_ =	shalt  }
0x79: {  	_ =	shalt  }
0x7a: {  	_ =	shalt  }
0x7b: {  	_ =	shalt  }
0x7c: {  	_ =	shalt  }
0x7d: {  	_ =	shalt  }
0x7e: {  	_ =	shalt  }
0x7f: {  	_ =	shalt  }
0x80: {  	_ =	shalt  }
0x81: {  	_ =	shalt  }
0x82: {  	_ =	shalt  }
0x83: {  	_ =	shalt  }
0x84: {  	_ =	shalt  }
0x85: {  	_ =	shalt  }
0x86: {  	_ =	shalt  }
0x87: {  	_ =	shalt  }
.Lfunc_end0:
.L_simem_size_0:
called_computation.1_lowered:
.L_overlay_start_0:
0x88: {  	s2 =	sld [smem:$0x3FD9]  }
0x89: {  	s3 =	sld [smem:$0x3FFE];
	_ =	sdelay $0x1  }
0x8a: {  	s1 =	srdreg.scid  }
0x8b: {  	s0 =	sand.u32 $0x1, s1  }
0x8c: {  	s14 =	sshll.u32 s0, $0xA;
	s2 =	sadd.s32 s3, s2  }
0x8d: {  	s2 =	sadd.s32 s2, s14  }
0x8e: {  	[smem:$0x3FC1] =	sst s2  }
0x8f: {  	_ = 	snop  }
0x90: {  	s2 =	sld [smem:$0x3FD0];
	_ =	sdelay $0x2  }
0x91: {  	s4 =	simm.s32 $0xA;
	s5 =	simm.s32 $0x10;
	s15 =	sld [smem:$0x3FC8]  }
0x92: {  	[smem:s5], [sflag:s4] =	dma.local [hbm:s2], $0x1  }
0x93: {  	_ =	swait.eq [sflag:s4], $0x1  }
0x94: {  	[sflag:s4] =	ssyncset.done $0x0  }
0x95: {  	[sflag:s4] =	ssyncadd.s32 $0xFFFFFFFF  }
0x96: {  	s16 =	sld [smem:$0x10];
	(tm) =	ssettm $0x1  }
0x97: {  	s17 =	sld [smem:$0x3FFB];
	_ =	sdelay $0x3  }
0x98: {  	_ =	strace s17  }
0x99: {  	s4 =	sld [smem:$0x3FFC];
	_ =	sdelay $0x3  }
0x9a: {  	_ =	strace s4  }
0x9b: {  	s4 =	sld [smem:$0x3FFD];
	_ =	sdelay $0x3  }
0x9c: {  	_ =	strace s4  }
0x9d: {  	_ =	strace $0x8FFFFFFF  }
0x9e: {  	s18 =	sld [smem:$0x3FDB];
	_ =	sdelay $0x1  }
0x9f: {  	s19 =	simm.s32 $_scs_section_size  }
0xa0: {  	s6 =	simm.s32 $_size__tile_overlayer_lowered;
	s7 =	simm.s32 $_tile_overlayer_lowered  }
0xa1: {  	s22 =	simm.s32 $0x1BFF;
	s21 =	sshll.u32 s7, $0x1;
	s4 =	sadd.s32 s19, s18  }
0xa2: {  	s8 =	simm.s32 $0x0;
	s20 =	sshll.u32 s6, $0x1;
	s6 =	sadd.s32 s21, s4  }
0xa3: {  	[timem:s8], [sflag:s22] =	dma.local [hbm:s6], s20  }
0xa4: {  	_ =	swait.ge [sflag:s22], s20  }
0xa5: {  	s5 =	ssub.s32 $0x0, s20;
	[sflag:s22] =	ssyncset.done $0x0  }
0xa6: {  	[sflag:s22] =	ssyncadd.s32 s5;
	_ =	sdelay $0x1  }
0xa7: {  	s23 =	simm.s32 $0x1B8B  }
0xa8: {  	_ =	swait.ge [sflag:s23], $0x1  }
0xa9: {  	[sflag:s23] =	ssyncset.done $0x0  }
0xaa: {  	s25 =	simm.s32 $0x1B8E;
	s24 =	sld [smem:$0x3FFE];
	[sflag:s23] =	ssyncadd.s32 $0xFFFFFFFF  }
0xab: {  	s26 =	simm.s32 $execute0_lowered;
	[smem:$0x3FD2] =	sst s25  }
0xac: {  	s6 =	sshll.u32 s26, $0x1;
	_ =	strace $0x80000049;
	[dreg:$0x1] =	wrdreg $0xFFFFFFFF  }
0xad: {  	s28 =	simm.s32 $_size_execute0_lowered;
	s4 =	sadd.s32 s4, s6;
	[dreg:$0x0] =	wrdreg $0x0  }
0xae: {  	s6 =	sshll.u32 s28, $0x1;
	[dreg:$0x2] =	wrdreg s4  }
0xaf: {  	[dreg:$0x3] =	wrdreg s6  }
0xb0: {  	[dreg:$0x4] =	wrdreg $0xC0  }
0xb1: {  	_ =	task [dreg:s8], $0x5FFFF  }
0xb2: {  	[dreg:$0x1] =	wrdreg $0xFFFFFFFF  }
0xb3: {  	[dreg:$0x0] =	wrdreg $0x60  }
0xb4: {  	[dreg:$0x2] =	wrdreg s15  }
0xb5: {  	[dreg:$0x3] =	wrdreg s16  }
0xb6: {  	[dreg:$0x4] =	wrdreg s24  }
0xb7: {  	[dreg:$0x5] =	wrdreg $0x9  }
0xb8: {  	_ =	task.clear_ibuf [dreg:s8], $0x6FFFF;
	_ =	strace $0x90000049  }
0xb9: {  	s29 =	simm.s32 $0x9;
	_ =	strace $0x8000004B  }
0xba: {  	_ =	swait.ge [sflag:s29], $0x1  }
0xbb: {  	[sflag:s29] =	ssyncadd.s32 $0xFFFFFFFF  }
0xbc: {  	_ =	strace $0x9000004B  }
0xbd: {  	_ =	sfence  }
0xbe: {  	s30 =	sld [smem:$0x0];
	_ =	sdelay $0x2  }
0xbf: {  	s31 =	sshll.u32 s1, $0xD;
	s1 =	sshrl.u32 s1, $0x2  }
0xc0: {  	s3 =	sand.u32 $0x4000, s31;
	s1 =	sadd.s32 s1, s30  }
0xc1: {  	s0 =	sor.u32 s3, s0;
	s1 =	sshll.u32 s1, $0x11  }
0xc2: {  	s0 =	sor.u32 s1, s0  }
0xc3: {  	s0 =	sadd.s32 $0x8F2B, s0  }
0xc4: {  	[sflag:s0] =	ssyncadd.remote.s32 $0x1  }
0xc5: {  	_ =	sfence.sel $0xFFFF  }
0xc6: {  	[dreg:$0x0] =	wrdreg $0xFFFFFFFF;
	(pc) =	sbr.abs _section_cstart, $3  }
0xc7: {  	[dreg:$0x1] =	wrdreg $0xFFFFFFFF  }
0xc8: {  	_ =	task.clear_ibuf [dreg:s8], $0x2FFFF;
	_ =	strace $0x9FFFFFFF  }
0xc9: {  	(tm) =	ssettm $0x7FFFFFFF  }
tec
execute0_lowered:
.L_overlay_start_1:
0x0: {  	(tag) =	ssettag $0x1  }
0x1: {  	s1 =	rddreg [dreg:$0x0]  }
0x2: {  	s2 =	srdreg.scid;
	s0 =	stileid.u32  }
0x3: {  	s4 =	rddreg [dreg:$0x1];
	s6 =	sand.u32 $0x1, s2;
	s30 =	sshll.u32 s0, $0x1  }
0x4: {  	s9 =	rddreg [dreg:$0x2];
	s3 =	simm.s32 $0x0;
	s7 =	sor.u32 s6, s30  }
0x5: {  	s8 =	simm.s32 $0x1;
	[smem:$0x7FF] =	sst s3;
	s5 =	smul.u32 $0x28, s7  }
0x6: {  	s2 =	rddreg [dreg:$0x3];
	_ =	strace $0x8000004A;
	s11 =	ssub.s32 $0x2, s6  }
0x7: {  	s6 =	simm.s32 $0x140;
	s5 =	sadd.s32 s4, s5;
	s4 =	simm.s32 $0x2  }
0x8: {  	[tilespmem:s3], [sflag:$0x2] =	stream.linear.gather [hbm4b:s5+s3], $0x140, $0x38;
	[tilespmem:$0xA180] =	vst v63  }
0x9: {  	s10 =	smul.u32 $0x1400, s7;
	s12 =	sshrl.u32 s11, $0x1;
	_ =	swait.ge [sflag:s4], $0x140  }
0xa: {  	s7 =	simm.s32 $0x180;
	s31 =	ssub.s32 s11, s12;
	[sflag:s4] =	ssyncset.done $0x0  }
0xb: {  	s9 =	sadd.s32 s10, s9;
	s10 =	smax.u32 s31, $0x1;
	[sflag:s4] =	ssyncadd.s32 $0xFFFFFEC0  }
0xc: {  	[tilespmem:s7], [sflag:$0x1] =	stream.indirect.gather [hbm4b:s1+s6], $0x80, s3, s6, $0xb8;
	[tilespmem:$0xA180] =	vst v63  }
0xd: {  	p0 =	sne.s32 s10, $0x1;
	_ =	swait.ge [sflag:s8], $0xA000  }
.Ltmp0:
0xe: {  	[sflag:s8] =	ssyncset.done $0x0;
	(pc) =	sbr.rel @!p0 .LBB2_2-.Ltmp0, $4  }
0xf: {  	s9 =	sadd.s32 $0x1800, s9;
	[sflag:s8] =	ssyncadd.s32 $0xFFFF6000  }
0x10: {  	[hbm4b:s9+s3] =	stream.linear.scatter [tilespmem:s7], [sflag:$0x2], $0xA000, $0x38;
	[tilespmem:$0xA180] =	vst v63  }
0x11: {  	_ =	swait.ge [sflag:s4], $0xA000  }
0x12: {  	s10 =	sadd.s32 $0xFFFFFFFF, s10;
	[sflag:s4] =	ssyncset.done $0x0  }
.LBB2_1:
0x13: {  	p0 =	sne.s32 s10, $0x1;
	s10 =	sadd.s32 $0xFFFFFFFF, s10;
	[sflag:s4] =	ssyncadd.s32 $0xFFFF6000  }
0x14: {  	[tilespmem:s3], [sflag:$0x2] =	stream.linear.gather [hbm4b:s5+s3], $0x140, $0x38;
	[tilespmem:$0xA180] =	vst v63  }
0x15: {  	_ =	swait.ge [sflag:s4], $0x140  }
0x16: {  	[sflag:s4] =	ssyncset.done $0x0  }
0x17: {  	[sflag:s4] =	ssyncadd.s32 $0xFFFFFEC0  }
0x18: {  	[tilespmem:s7], [sflag:$0x1] =	stream.indirect.gather [hbm4b:s1+s6], $0x80, s3, s6, $0xb8;
	[tilespmem:$0xA180] =	vst v63  }
0x19: {  	_ =	swait.ge [sflag:s8], $0xA000  }
.Ltmp1:
0x1a: {  	[sflag:s8] =	ssyncset.done $0x0;
	(pc) =	sbr.rel @p0 .LBB2_1-.Ltmp1, $4  }
0x1b: {  	[sflag:s8] =	ssyncadd.s32 $0xFFFF6000  }
0x1c: {  	[hbm4b:s9+s3] =	stream.linear.scatter [tilespmem:s7], [sflag:$0x2], $0xA000, $0x38;
	[tilespmem:$0xA180] =	vst v63  }
0x1d: {  	_ =	swait.ge [sflag:s4], $0xA000  }
0x1e: {  	[sflag:s4] =	ssyncset.done $0x0  }
.LBB2_2:
0x1f: {  	[sflag:s4] =	ssyncadd.s32 $0xFFFF6000  }
0x20: {  	_ =	sfence.sel $0x180000  }
0x21: {  	[bflag:$0x0] =	sbarrier.arrive $0xFFFF  }
0x22: {  	p0 =	sne.s32 s0, $0x0;
	_ =	strace $0x9000004A  }
0x23: {  	s0 =	sadd.s32 @!p0 $0x100000, s2;
	[bflag:$0x2] =	sbarrier.arrive $0xFFFF  }
0x24: {  	[sflag:s0] =	ssyncadd.tile.s32 @!p0 $0x1;
	_ =	shalt  }
.Lfunc_end2:
_tile_overlayer_lowered:
.L_overlay_start_2:
0x25: {  	(tag) =	ssettag $0x2  }
0x26: {  	s0 =	rddreg [dreg:$0x0];
	s2 =	stileid.u32  }
0x27: {  	s1 =	rddreg [dreg:$0x1];
	p0 =	sne.s32 s2, $0x0  }
0x28: {  	s3 =	rddreg [dreg:$0x2];
	[bflag:$0x3] =	sbarrier.arrive $0xFFFF;
	s2 =	simm.s32 @!p0 $0x1C02  }
0x29: {  	[timem:s3], [sflag:s2] =	dma.local @!p0 [hbm:s0], s1  }
0x2a: {  	s0 =	simm.s32 @!p0 $0x2  }
0x2b: {  	_ =	swait.ge @!p0 [sflag:s0], s1  }
0x2c: {  	s1 =	ssub.s32 @!p0 $0x0, s1;
	[sflag:s0] =	ssyncset.done @!p0 $0x0  }
0x2d: {  	[sflag:s0] =	ssyncadd.s32 @!p0 s1  }
0x2e: {  	[bflag:$0x3] =	sbarrier.arrive $0xFFFF  }
0x2f: {  	_ =	shalt  }

// kernel: kernel.8.cloned.1.call-start
scs
__scs_entry_jumppad:
0x0: {  	(pc) =	sbr.rel $0x88, $3  }
0x1: {  	(tag) =	ssettag $0x0;
	lr =	simm.s32 $0x1  }
0x2: {  	[smem:$0x3F9A] =	sst lr;
	_ =	strace $0xD0000000  }
0x3: {  	_ = 	snop  }
0x4: {  	_ = 	snop  }
0x5: {  	_ = 	snop  }
0x6: {  	_ = 	snop  }
0x7: {  	_ = 	snop  }
__scs_overlays_trampoline_lowered:
0x8: {  	[smem:$0x3FA9] =	sst s0  }
0x9: {  	[smem:$0x3FAA] =	sst s1  }
0xa: {  	[smem:$0x3FAB] =	sst s2  }
0xb: {  	[smem:$0x3FAC] =	sst s3  }
0xc: {  	[smem:$0x3FAD] =	sst s4  }
0xd: {  	[smem:$0x3FAE] =	sst s5  }
0xe: {  	[smem:$0x3FAF] =	sst s6  }
0xf: {  	[smem:$0x3FB0] =	sst s7  }
0x10: {  	[smem:$0x3FB1] =	sst s8  }
0x11: {  	[smem:$0x3FB2] =	sst s9;
	s0 =	simm.s32 @!p0 $0x0  }
0x12: {  	s1 =	sld [smem:$0x3F98];
	s0 =	simm.s32 @p0 $0x1  }
0x13: {  	[smem:$0x3FB3] =	sst s0;
	s0 =	simm.s32 @!p1 $0x0  }
0x14: {  	s2 =	sld [smem:$0x3F97];
	s0 =	simm.s32 @p1 $0x1  }
0x15: {  	[smem:$0x3FB4] =	sst s0;
	s0 =	simm.s32 @!p2 $0x0  }
0x16: {  	s3 =	sld [smem:$0x3FDB];
	s0 =	simm.s32 @p2 $0x1  }
0x17: {  	s4 =	simm.s32 $0x1BF5;
	[smem:$0x3FB6] =	sst s0  }
0x18: {  	s0 =	sld [smem:$0x3F99];
	_ =	swait.ge [sflag:s4], $0x0  }
0x19: {  	s7 =	sld [smem:$0x3F9A]  }
0x1a: {  	s8 =	sadd.s32 $0xFFFFE003, lr  }
0x1b: {  	s9 =	sadd.s32 $0xFFFFFEF7, lr;
	s5 =	simm.s32 $0xFFFFFFFF;
	p2 =	slt.u32 s8, $0xFFFFF086  }
0x1c: {  	p1 =	slt.u32 s9, $0xF7A;
	s5 =	simm.s32 @!p2 $0x0  }
0x1d: {  	s5 =	simm.s32 @p1 $0x1;
	p0 =	seq.s32 s7, s2  }
0x1e: {  	s7 =	smul.u32 @!p0 $0xF7A, s2;
	p2 =	seq.s32 @!p0 s5, $0x0  }
0x1f: {  	s9 =	smul.u32 $0xF7A, s1;
	s8 =	simm.s32 @!p0 $0x1BF5;
	p2 =	por !p2, p0  }
0x20: {  	[sflag:s8] =	ssyncset.s32 @!p0 $0xFFFFF086;
	s6 =	sadd.s32 @!p0 s3, s7;
	s7 =	simm.s32 @!p0 $0x108  }
0x21: {  	s3 =	sadd.s32 s3, s9;
	s6 =	sadd.s32 @!p0 $0x88, s6;
	s7 =	simm.s32 @p2 $0x1082  }
0x22: {  	[simem:s7], [sflag:s8] =	dma.local @!p0 [hbm:s6], $0xF7A  }
0x23: {  	s9 =	sor.u32 $0xD0000000, s2;
	s6 =	simm.s32 $0x108;
	_ =	swait.ge @!p0 [sflag:s8], $0x0  }
0x24: {  	s3 =	sadd.s32 $0x88, s3;
	s6 =	simm.s32 @!p1 $0x1082;
	[sflag:s4] =	ssyncset.s32 $0xFFFFF086  }
0x25: {  	[simem:s6], [sflag:s4] =	dma.local [hbm:s3], $0xF7A  }
0x26: {  	[smem:$0x3F9A] =	sst s1;
	(tag) =	ssettag s2;
	_ =	strace s9  }
0x27: {  	s1 =	sld [smem:$0x3FAA]  }
0x28: {  	s2 =	sld [smem:$0x3FAB]  }
0x29: {  	s4 =	sld [smem:$0x3FAD]  }
0x2a: {  	p0 =	seq.s32 s5, $0x0;
	s5 =	sld [smem:$0x3FAE]  }
0x2b: {  	s6 =	sld [smem:$0x3FAF]  }
0x2c: {  	s7 =	sld [smem:$0x3FB0]  }
0x2d: {  	s3 =	simm.s32 $0x108;
	s8 =	sld [smem:$0x3FB1]  }
0x2e: {  	s3 =	simm.s32 @!p0 $0x1082;
	s9 =	sld [smem:$0x3FB2]  }
0x2f: {  	lr =	sadd.s32 s0, s3;
	s0 =	sld [smem:$0x3FA9]  }
0x30: {  	s3 =	sld [smem:$0x3FAC]  }
0x31: {  	[smem:$0x3FB5] =	sst s10  }
0x32: {  	s10 =	sld [smem:$0x3FB3];
	_ =	sdelay $0x3  }
0x33: {  	p0 =	seq.s32 s10, $0x1;
	s10 =	sld [smem:$0x3FB5];
	_ =	sdelay $0x3  }
0x34: {  	[smem:$0x3FB5] =	sst s10  }
0x35: {  	s10 =	sld [smem:$0x3FB4];
	_ =	sdelay $0x3  }
0x36: {  	p1 =	seq.s32 s10, $0x1;
	s10 =	sld [smem:$0x3FB5];
	_ =	sdelay $0x3  }
0x37: {  	[smem:$0x3FB5] =	sst s10  }
0x38: {  	s10 =	sld [smem:$0x3FB6]  }
0x39: {  	_ = 	snop;
	(pc) =	sbr.ind lr, $3  }
0x3a: {  	_ = 	snop  }
0x3b: {  	_ = 	snop  }
0x3c: {  	p2 =	seq.s32 s10, $0x1;
	s10 =	sld [smem:$0x3FB5]  }
0x3d: {  	_ =	shalt  }
0x3e: {  	_ =	shalt  }
0x3f: {  	_ =	shalt  }
0x40: {  	_ =	shalt  }
0x41: {  	_ =	shalt  }
0x42: {  	_ =	shalt  }
0x43: {  	_ =	shalt  }
0x44: {  	_ =	shalt  }
0x45: {  	_ =	shalt  }
0x46: {  	_ =	shalt  }
0x47: {  	_ =	shalt  }
0x48: {  	_ =	shalt  }
0x49: {  	_ =	shalt  }
0x4a: {  	_ =	shalt  }
0x4b: {  	_ =	shalt  }
0x4c: {  	_ =	shalt  }
0x4d: {  	_ =	shalt  }
0x4e: {  	_ =	shalt  }
0x4f: {  	_ =	shalt  }
0x50: {  	_ =	shalt  }
0x51: {  	_ =	shalt  }
0x52: {  	_ =	shalt  }
0x53: {  	_ =	shalt  }
0x54: {  	_ =	shalt  }
0x55: {  	_ =	shalt  }
0x56: {  	_ =	shalt  }
0x57: {  	_ =	shalt  }
0x58: {  	_ =	shalt  }
0x59: {  	_ =	shalt  }
0x5a: {  	_ =	shalt  }
0x5b: {  	_ =	shalt  }
0x5c: {  	_ =	shalt  }
0x5d: {  	_ =	shalt  }
0x5e: {  	_ =	shalt  }
0x5f: {  	_ =	shalt  }
0x60: {  	_ =	shalt  }
0x61: {  	_ =	shalt  }
0x62: {  	_ =	shalt  }
0x63: {  	_ =	shalt  }
0x64: {  	_ =	shalt  }
0x65: {  	_ =	shalt  }
0x66: {  	_ =	shalt  }
0x67: {  	_ =	shalt  }
0x68: {  	_ =	shalt  }
0x69: {  	_ =	shalt  }
0x6a: {  	_ =	shalt  }
0x6b: {  	_ =	shalt  }
0x6c: {  	_ =	shalt  }
0x6d: {  	_ =	shalt  }
0x6e: {  	_ =	shalt  }
0x6f: {  	_ =	shalt  }
0x70: {  	_ =	shalt  }
0x71: {  	_ =	shalt  }
0x72: {  	_ =	shalt  }
0x73: {  	_ =	shalt  }
0x74: {  	_ =	shalt  }
0x75: {  	_ =	shalt  }
0x76: {  	_ =	shalt  }
0x77: {  	_ =	shalt  }
0x78: {  	_ =	shalt  }
0x79: {  	_ =	shalt  }
0x7a: {  	_ =	shalt  }
0x7b: {  	_ =	shalt  }
0x7c: {  	_ =	shalt  }
0x7d: {  	_ =	shalt  }
0x7e: {  	_ =	shalt  }
0x7f: {  	_ =	shalt  }
0x80: {  	_ =	shalt  }
0x81: {  	_ =	shalt  }
0x82: {  	_ =	shalt  }
0x83: {  	_ =	shalt  }
0x84: {  	_ =	shalt  }
0x85: {  	_ =	shalt  }
0x86: {  	_ =	shalt  }
0x87: {  	_ =	shalt  }
.Lfunc_end0:
.L_simem_size_0:
called_computation_lowered:
.L_overlay_start_0:
0x88: {  	s2 =	sld [smem:$0x3FD9]  }
0x89: {  	s3 =	sld [smem:$0x3FFE];
	_ =	sdelay $0x1  }
0x8a: {  	s1 =	srdreg.scid  }
0x8b: {  	s0 =	sand.u32 $0x1, s1  }
0x8c: {  	s14 =	sshll.u32 s0, $0xA;
	s2 =	sadd.s32 s3, s2  }
0x8d: {  	s2 =	sadd.s32 s2, s14  }
0x8e: {  	[smem:$0x3FC1] =	sst s2  }
0x8f: {  	_ = 	snop  }
0x90: {  	s2 =	sld [smem:$0x3FD0];
	_ =	sdelay $0x2  }
0x91: {  	s15 =	simm.s32 $0xA;
	s4 =	simm.s32 $0x10  }
0x92: {  	[smem:s4], [sflag:s15] =	dma.local [hbm:s2], $0x1  }
0x93: {  	_ =	swait.eq [sflag:s15], $0x1  }
0x94: {  	[sflag:s15] =	ssyncset.done $0x0  }
0x95: {  	[sflag:s15] =	ssyncadd.s32 $0xFFFFFFFF  }
0x96: {  	s16 =	sld [smem:$0x11];
	(tm) =	ssettm $0x1  }
0x97: {  	s17 =	sld [smem:$0x3FFB];
	_ =	sdelay $0x3  }
0x98: {  	_ =	strace s17  }
0x99: {  	s3 =	sld [smem:$0x3FFC];
	_ =	sdelay $0x3  }
0x9a: {  	_ =	strace s3  }
0x9b: {  	s3 =	sld [smem:$0x3FFD];
	_ =	sdelay $0x3  }
0x9c: {  	_ =	strace s3  }
0x9d: {  	_ =	strace $0x8FFFFFFF  }
0x9e: {  	s18 =	sld [smem:$0x3FDB];
	_ =	sdelay $0x1  }
0x9f: {  	s19 =	simm.s32 $_scs_section_size  }
0xa0: {  	s5 =	simm.s32 $_size__tile_overlayer_lowered;
	s6 =	simm.s32 $_tile_overlayer_lowered  }
0xa1: {  	s22 =	simm.s32 $0x1BFF;
	s21 =	sshll.u32 s6, $0x1;
	s3 =	sadd.s32 s19, s18  }
0xa2: {  	s7 =	simm.s32 $0x0;
	s20 =	sshll.u32 s5, $0x1;
	s5 =	sadd.s32 s21, s3  }
0xa3: {  	[timem:s7], [sflag:s22] =	dma.local [hbm:s5], s20  }
0xa4: {  	_ =	swait.ge [sflag:s22], s20  }
0xa5: {  	s4 =	ssub.s32 $0x0, s20;
	[sflag:s22] =	ssyncset.done $0x0  }
0xa6: {  	[sflag:s22] =	ssyncadd.s32 s4;
	_ =	sdelay $0x1  }
0xa7: {  	s23 =	simm.s32 $0x1B8B  }
0xa8: {  	_ =	swait.ge [sflag:s23], $0x1  }
0xa9: {  	[sflag:s23] =	ssyncset.done $0x0  }
0xaa: {  	s25 =	simm.s32 $0x1B8E;
	s24 =	sld [smem:$0x3FFE];
	[sflag:s23] =	ssyncadd.s32 $0xFFFFFFFF  }
0xab: {  	s26 =	simm.s32 $execute0_lowered;
	[smem:$0x3FD2] =	sst s25  }
0xac: {  	s5 =	sshll.u32 s26, $0x1;
	_ =	strace $0x80000046;
	[dreg:$0x1] =	wrdreg $0xFFFFFFFF  }
0xad: {  	s28 =	simm.s32 $_size_execute0_lowered;
	s3 =	sadd.s32 s3, s5;
	[dreg:$0x0] =	wrdreg $0x0  }
0xae: {  	s5 =	sshll.u32 s28, $0x1;
	[dreg:$0x2] =	wrdreg s3  }
0xaf: {  	[dreg:$0x3] =	wrdreg s5  }
0xb0: {  	[dreg:$0x4] =	wrdreg $0xC0  }
0xb1: {  	_ =	task [dreg:s7], $0x5FFFF  }
0xb2: {  	[dreg:$0x1] =	wrdreg $0xFFFFFFFF  }
0xb3: {  	[dreg:$0x0] =	wrdreg $0x60  }
0xb4: {  	[dreg:$0x2] =	wrdreg s24  }
0xb5: {  	[dreg:$0x3] =	wrdreg s16  }
0xb6: {  	[dreg:$0x4] =	wrdreg $0x9  }
0xb7: {  	_ =	task.clear_ibuf [dreg:s7], $0x5FFFF;
	_ =	strace $0x90000046  }
0xb8: {  	s29 =	simm.s32 $0x9;
	_ =	strace $0x80000048  }
0xb9: {  	_ =	swait.ge [sflag:s29], $0x1  }
0xba: {  	[sflag:s29] =	ssyncadd.s32 $0xFFFFFFFF  }
0xbb: {  	_ =	strace $0x90000048  }
0xbc: {  	_ =	sfence  }
0xbd: {  	s30 =	sld [smem:$0x0];
	_ =	sdelay $0x2  }
0xbe: {  	s31 =	sshll.u32 s1, $0xD;
	s1 =	sshrl.u32 s1, $0x2  }
0xbf: {  	s3 =	sand.u32 $0x4000, s31;
	s1 =	sadd.s32 s1, s30  }
0xc0: {  	s0 =	sor.u32 s3, s0;
	s1 =	sshll.u32 s1, $0x11  }
0xc1: {  	s0 =	sor.u32 s1, s0  }
0xc2: {  	s0 =	sadd.s32 $0x8F2B, s0  }
0xc3: {  	[sflag:s0] =	ssyncadd.remote.s32 $0x1  }
0xc4: {  	_ =	sfence.sel $0xFFFF  }
0xc5: {  	[dreg:$0x0] =	wrdreg $0xFFFFFFFF;
	(pc) =	sbr.abs _section_cstart, $3  }
0xc6: {  	[dreg:$0x1] =	wrdreg $0xFFFFFFFF  }
0xc7: {  	_ =	task.clear_ibuf [dreg:s7], $0x2FFFF;
	_ =	strace $0x9FFFFFFF  }
0xc8: {  	(tm) =	ssettm $0x7FFFFFFF  }
0xc9: {  	_ =	shalt  }
tec
execute0_lowered:
.L_overlay_start_1:
0x0: {  	(tag) =	ssettag $0x1  }
0x1: {  	s1 =	srdreg.scid  }
0x2: {  	s0 =	stileid.u32;
	s8 =	rddreg [dreg:$0x0]  }
0x3: {  	s3 =	rddreg [dreg:$0x1];
	s6 =	sand.u32 $0x1, s1;
	s30 =	sshll.u32 s0, $0x1  }
0x4: {  	s2 =	simm.s32 $0x0;
	s1 =	rddreg [dreg:$0x2];
	s7 =	sor.u32 s6, s30  }
0x5: {  	[smem:$0x7FF] =	sst s2;
	s4 =	smul.u32 $0x30, s7  }
0x6: {  	s5 =	sadd.s32 $0x1800, s8;
	_ =	strace $0x80000047;
	s10 =	ssub.s32 $0x2, s6  }
0x7: {  	s6 =	simm.s32 $0x180;
	s4 =	sadd.s32 s3, s4;
	s3 =	simm.s32 $0x2  }
0x8: {  	[tilespmem:s2], [sflag:$0x2] =	stream.linear.gather [hbm4b:s4+s2], $0x180, $0x38;
	[tilespmem:$0xC180] =	vst v63  }
0x9: {  	s9 =	smul.u32 $0x1800, s7;
	s11 =	sshrl.u32 s10, $0x1;
	_ =	swait.ge [sflag:s3], $0x180  }
0xa: {  	s7 =	simm.s32 $0x1;
	s31 =	ssub.s32 s10, s11;
	[sflag:s3] =	ssyncset.done $0x0  }
0xb: {  	s8 =	sadd.s32 s9, s8;
	s9 =	smax.u32 s31, $0x1;
	[sflag:s3] =	ssyncadd.s32 $0xFFFFFE80  }
0xc: {  	[tilespmem:s6], [sflag:$0x1] =	stream.indirect.gather [hbm4b:s5+s6], $0x80, s2, s6, $0xb8;
	[tilespmem:$0xC180] =	vst v63  }
0xd: {  	p0 =	sne.s32 s9, $0x1;
	_ =	swait.ge [sflag:s7], $0xC000  }
.Ltmp0:
0xe: {  	[sflag:s7] =	ssyncset.done $0x0;
	(pc) =	sbr.rel @!p0 .LBB2_2-.Ltmp0, $4  }
0xf: {  	s8 =	sadd.s32 $0xC45800, s8;
	[sflag:s7] =	ssyncadd.s32 $0xFFFF4000  }
0x10: {  	[hbm4b:s8+s2] =	stream.linear.scatter [tilespmem:s6], [sflag:$0x2], $0xC000, $0x38;
	[tilespmem:$0xC180] =	vst v63  }
0x11: {  	_ =	swait.ge [sflag:s3], $0xC000  }
0x12: {  	s9 =	sadd.s32 $0xFFFFFFFF, s9;
	[sflag:s3] =	ssyncset.done $0x0  }
.LBB2_1:
0x13: {  	p0 =	sne.s32 s9, $0x1;
	s9 =	sadd.s32 $0xFFFFFFFF, s9;
	[sflag:s3] =	ssyncadd.s32 $0xFFFF4000  }
0x14: {  	[tilespmem:s2], [sflag:$0x2] =	stream.linear.gather [hbm4b:s4+s2], $0x180, $0x38;
	[tilespmem:$0xC180] =	vst v63  }
0x15: {  	_ =	swait.ge [sflag:s3], $0x180  }
0x16: {  	[sflag:s3] =	ssyncset.done $0x0  }
0x17: {  	[sflag:s3] =	ssyncadd.s32 $0xFFFFFE80  }
0x18: {  	[tilespmem:s6], [sflag:$0x1] =	stream.indirect.gather [hbm4b:s5+s6], $0x80, s2, s6, $0xb8;
	[tilespmem:$0xC180] =	vst v63  }
0x19: {  	_ =	swait.ge [sflag:s7], $0xC000  }
.Ltmp1:
0x1a: {  	[sflag:s7] =	ssyncset.done $0x0;
	(pc) =	sbr.rel @p0 .LBB2_1-.Ltmp1, $4  }
0x1b: {  	[sflag:s7] =	ssyncadd.s32 $0xFFFF4000  }
0x1c: {  	[hbm4b:s8+s2] =	stream.linear.scatter [tilespmem:s6], [sflag:$0x2], $0xC000, $0x38;
	[tilespmem:$0xC180] =	vst v63  }
0x1d: {  	_ =	swait.ge [sflag:s3], $0xC000  }
0x1e: {  	[sflag:s3] =	ssyncset.done $0x0  }
.LBB2_2:
0x1f: {  	[sflag:s3] =	ssyncadd.s32 $0xFFFF4000  }
0x20: {  	_ =	sfence.sel $0x180000  }
0x21: {  	[bflag:$0x0] =	sbarrier.arrive $0xFFFF  }
0x22: {  	p0 =	sne.s32 s0, $0x0;
	_ =	strace $0x90000047  }
0x23: {  	s0 =	sadd.s32 @!p0 $0x100000, s1;
	[bflag:$0x2] =	sbarrier.arrive $0xFFFF  }
0x24: {  	[sflag:s0] =	ssyncadd.tile.s32 @!p0 $0x1;
	_ =	shalt  }
.Lfunc_end2:
_tile_overlayer_lowered:
.L_overlay_start_2:
0x25: {  	(tag) =	ssettag $0x2  }
0x26: {  	s0 =	rddreg [dreg:$0x0];
	s2 =	stileid.u32  }
0x27: {  	s1 =	rddreg [dreg:$0x1];
	p0 =	sne.s32 s2, $0x0  }
0x28: {  	s3 =	rddreg [dreg:$0x2];
	[bflag:$0x3] =	sbarrier.arrive $0xFFFF;
	s2 =	simm.s32 @!p0 $0x1C02  }
0x29: {  	[timem:s3], [sflag:s2] =	dma.local @!p0 [hbm:s0], s1  }
0x2a: {  	s0 =	simm.s32 @!p0 $0x2  }
0x2b: {  	_ =	swait.ge @!p0 [sflag:s0], s1  }
0x2c: {  	s1 =	ssub.s32 @!p0 $0x0, s1;
	[sflag:s0] =	ssyncset.done @!p0 $0x0  }
0x2d: {  	[sflag:s0] =	ssyncadd.s32 @!p0 s1  }
0x2e: {  	[bflag:$0x3] =	sbarrier.arrive $0xFFFF  }
0x2f: {  	_ =	shalt  }

</sc_bundles>
